<compile_context>
chip_gen: v7x
topology: tpu7x:2x2x1
jax: 0.10.2.dev20260603
libtpu: 0.0.44.dev20260713+nightly
codegen_flags: <defaults>
</compile_context>

<pallas_src>
import functools

import jax
import jax.numpy as jnp
from jax import lax
from jax.experimental import pallas as pl
from jax.experimental.pallas import tpu as pltpu

D = 128
NI = 3
NRBF = 20
CUT = 5.0
EB = 2000
WN = 256



def _filters_body(d_ref, fw_ref, fb_ref, out_ref):
    d = d_ref[:, :]
    width = CUT / (NRBF - 1)
    coeff = -0.5 / (width * width)
    offs = lax.broadcasted_iota(jnp.int32, (d.shape[0], NRBF), 1).astype(
        jnp.float32) * width
    phi = jnp.exp(coeff * (d - offs) ** 2)
    fcut = 0.5 * (jnp.cos(d * (jnp.pi / CUT)) + 1.0) * (d < CUT).astype(
        jnp.float32)
    filt = jnp.dot(phi, fw_ref[:, :], preferred_element_type=jnp.float32) \
        + fb_ref[:, :]
    out_ref[:, :] = filt * fcut


def _filters(d, fW, fb):
    E = d.shape[0]
    F = NI * 3 * D
    return pl.pallas_call(
        _filters_body,
        grid=(E // EB,),
        in_specs=[
            pl.BlockSpec((EB, 1), lambda e: (e, 0)),
            pl.BlockSpec((NRBF, F), lambda e: (0, 0)),
            pl.BlockSpec((1, F), lambda e: (0, 0)),
        ],
        out_specs=pl.BlockSpec((EB, F), lambda e: (e, 0)),
        out_shape=jax.ShapeDtypeStruct((E, F), jnp.float32),
    )(d, fW, fb)


def _edge_seg_body(hasmu, blk_s, w_s, first_s, valid_s, newblk_s,
                   g_ref, geom_ref, filt_ref, idxi_ref, out_ref,
                   upd_s):
    t = pl.program_id(0)
    w = w_s[t]
    first = first_s[t]
    validf = valid_s[t].astype(jnp.float32)

    @pl.when(newblk_s[t] == 1)
    def _():
        filt = filt_ref[:, :]
        gi = lax.bitcast_convert_type(g_ref[:, :], jnp.int32)
        ga = lax.bitcast_convert_type(gi << 16, jnp.float32)
        gb = lax.bitcast_convert_type(gi & jnp.int32(-65536), jnp.float32)
        g = jnp.concatenate([ga, gb], axis=1)
        xx = filt * g[:, :3 * D]
        dmuR = xx[:, D:2 * D]
        dmumu = xx[:, 2 * D:3 * D]
        upd_s[:, :D] = xx[:, :D]
        for c in range(3):
            term = dmuR * geom_ref[:, c:c + 1]
            if hasmu:
                term = term + dmumu * g[:, (3 + c) * D:(4 + c) * D]
            upd_s[:, (1 + c) * D:(2 + c) * D] = term

    local = idxi_ref[0, :, :] - w * WN
    oneh = (lax.broadcasted_iota(jnp.int32, (WN, EB), 0) == local)
    onehf = oneh.astype(jnp.float32) * validf
    seg = jnp.dot(onehf, upd_s[:, :],
                  preferred_element_type=jnp.float32)

    @pl.when(first == 1)
    def _():
        out_ref[:, :] = seg

    @pl.when(first == 0)
    def _():
        out_ref[:, :] += seg


def _edge_segsum(gathered, geom, filters, idxi3, blk_t, w_t, first_t, valid_t,
                 newblk_t, it, tmax, wtot):
    E = gathered.shape[0]
    hasmu = gathered.shape[1] == 3 * D
    gw = gathered.shape[1]
    grid_spec = pltpu.PrefetchScalarGridSpec(
        num_scalar_prefetch=5,
        grid=(tmax,),
        in_specs=[
            pl.BlockSpec((EB, gw), lambda t, b, w, f, v, nb: (b[t], 0)),
            pl.BlockSpec((EB, 8), lambda t, b, w, f, v, nb: (b[t], 0)),
            pl.BlockSpec((EB, 3 * D),
                         lambda t, b, w, f, v, nb, it=it: (b[t], it)),
            pl.BlockSpec((1, 1, EB), lambda t, b, w, f, v, nb: (b[t], 0, 0)),
        ],
        out_specs=pl.BlockSpec((WN, 4 * D),
                               lambda t, b, w, f, v, nb: (w[t], 0)),
        scratch_shapes=[pltpu.VMEM((EB, 4 * D), jnp.float32)],
    )
    return pl.pallas_call(
        functools.partial(_edge_seg_body, hasmu),
        grid_spec=grid_spec,
        out_shape=jax.ShapeDtypeStruct((wtot * WN, 4 * D), jnp.float32),
    )(blk_t, w_t, first_t, valid_t, newblk_t, gathered, geom, filters, idxi3)


def _silu(x):
    return x * jax.nn.sigmoid(x)


def kernel(Z, R, idx_i, idx_j, idx_m, batch_num, emb, fW, fb, iW1, ib1, iW2, ib2,
           mW1, mb1, mW2, mb2, muW, oW1, ob1, oW2, ob2, oW3, ob3):
    n = Z.shape[0]
    E = idx_i.shape[0]
    B = 64

    r_ij = R[idx_j] - R[idx_i]
    d_ij = jnp.sqrt(jnp.sum(r_ij * r_ij, axis=1, keepdims=True))
    dir_ij = r_ij / d_ij
    geom = jnp.pad(jnp.concatenate([dir_ij, d_ij], axis=1),
                   ((0, 0), (0, 4)))

    nblk = E // EB
    wtot = (n + WN - 1) // WN
    tmax = nblk + wtot + 8
    idx_i = idx_i.astype(jnp.int32)
    fn = idx_i[0::EB]
    ln = idx_i[EB - 1::EB]
    bw = fn // WN
    lw = ln // WN
    nw = (lw - bw + 1).astype(jnp.int32)
    cum = jnp.concatenate([jnp.zeros((1,), jnp.int32),
                           jnp.cumsum(nw).astype(jnp.int32)])
    t = jnp.arange(tmax, dtype=jnp.int32)
    blk_t = jnp.clip(jnp.searchsorted(cum, t, side='right').astype(jnp.int32)
                     - 1, 0, nblk - 1)
    valid_t = (t < cum[-1]).astype(jnp.int32)
    w_t_raw = bw[blk_t] + (t - cum[blk_t])
    w_t = jnp.where(valid_t == 1, w_t_raw, lw[nblk - 1]).astype(jnp.int32)
    first_t = jnp.concatenate([
        jnp.ones((1,), jnp.int32),
        ((w_t[1:] != w_t[:-1]) & (valid_t[1:] == 1)).astype(jnp.int32)])
    newblk_t = jnp.concatenate([
        jnp.ones((1,), jnp.int32),
        (blk_t[1:] != blk_t[:-1]).astype(jnp.int32)])
    visited = jnp.zeros((wtot,), jnp.int32).at[w_t].add(valid_t) > 0
    node_mask = jnp.repeat(visited, WN)[:n, None]
    idxi3 = idx_i.reshape(nblk, 1, EB)

    q = emb[Z]
    mu = jnp.zeros((n, 3 * D), jnp.float32)

    filters = _filters(d_ij, fW, fb.reshape(1, -1))
    for i in range(NI):
        x = _silu(q @ iW1[i] + ib1[i]) @ iW2[i] + ib2[i]
        table = x if i == 0 else jnp.concatenate([x, mu], axis=1)
        hw = table.shape[1] // 2
        lo16 = lax.bitcast_convert_type(
            table[:, :hw].astype(jnp.bfloat16), jnp.uint16).astype(jnp.uint32)
        hi16 = lax.bitcast_convert_type(
            table[:, hw:].astype(jnp.bfloat16), jnp.uint16).astype(jnp.uint32)
        packed = lax.bitcast_convert_type((hi16 << 16) | lo16, jnp.float32)
        gathered = jnp.take(packed, idx_j, axis=0)
        acc_full = _edge_segsum(gathered, geom, filters, idxi3,
                                blk_t, w_t, first_t, valid_t, newblk_t,
                                i, tmax, wtot)
        acc = jnp.where(node_mask, acc_full[:n], 0.0)
        q = q + acc[:, :D]
        mu = mu + acc[:, D:]

        mu3 = mu.reshape(n, 3, D)
        mu_mix = jnp.einsum('ncd,de->nce', mu3, muW[i])
        mu_V, mu_Wt = mu_mix[:, :, :D], mu_mix[:, :, D:]
        mu_Vn = jnp.sqrt(jnp.sum(mu_V * mu_V, axis=1) + 1e-08)
        ctx = jnp.concatenate([q, mu_Vn], axis=-1)
        xm = _silu(ctx @ mW1[i] + mb1[i]) @ mW2[i] + mb2[i]
        dq_i, dmu_i, dqmu_i = xm[:, :D], xm[:, D:2 * D], xm[:, 2 * D:]
        q = q + dq_i + dqmu_i * jnp.sum(mu_V * mu_Wt, axis=1)
        mu = (mu3 + dmu_i[:, None, :] * mu_Wt).reshape(n, 3 * D)

    h = _silu(q @ oW1 + ob1)
    h = _silu(h @ oW2 + ob2)
    y = h @ oW3 + ob3
    y = jnp.zeros((B, 1), jnp.float32).at[idx_m].add(y, indices_are_sorted=True)
    return (y, mu.reshape(n, 3, D))

# --- scband reference (transcript-rebuilt; emitter-appended) ---
"""Pipeline reference for scband-pai-nn-74698071212154 (READ-ONLY COPY).

The authoritative reference and input builder live on the scoring server;
editing this copy changes nothing except your own understanding.
"""

import jax, jax.numpy as jnp
import numpy as np

N = 10000; E = 160000; D = 128; NI = 3; MAXZ = 100; B = 64; CUT = 5.0; NRBF = 20


def setup_inputs(seed: int = 0) -> dict:
    key = jax.random.key(seed)
    ks = jax.random.split(key, 24)
    Z = jax.random.randint(ks[0], (N,), 0, MAXZ)
    R = jax.random.normal(ks[1], (N, 3), jnp.float32) * 2.0
    idx_i = jnp.sort(jax.random.randint(ks[2], (E,), 0, N))
    off = jax.random.randint(ks[3], (E,), 1, N)
    idx_j = (idx_i + off) % N  # guarantees idx_j != idx_i so d_ij > 0
    idx_m = jnp.sort(jax.random.randint(ks[4], (N,), 0, B))
    emb = jax.random.normal(ks[5], (MAXZ, D), jnp.float32) * 0.05
    emb = emb.at[0].set(0.0)  # padding_idx=0
    fW = jax.random.normal(ks[6], (NRBF, NI * 3 * D), jnp.float32) * 0.05
    fb = jnp.zeros((NI * 3 * D,), jnp.float32)
    iW1 = jax.random.normal(ks[7], (NI, D, D), jnp.float32) * 0.05
    ib1 = jnp.zeros((NI, D), jnp.float32)
    iW2 = jax.random.normal(ks[8], (NI, D, 3 * D), jnp.float32) * 0.05
    ib2 = jnp.zeros((NI, 3 * D), jnp.float32)
    mW1 = jax.random.normal(ks[9], (NI, 2 * D, D), jnp.float32) * 0.05
    mb1 = jnp.zeros((NI, D), jnp.float32)
    mW2 = jax.random.normal(ks[10], (NI, D, 3 * D), jnp.float32) * 0.05
    mb2 = jnp.zeros((NI, 3 * D), jnp.float32)
    muW = jax.random.normal(ks[11], (NI, D, 2 * D), jnp.float32) * 0.05
    oW1 = jax.random.normal(ks[12], (D, D), jnp.float32) * 0.05
    ob1 = jnp.zeros((D,), jnp.float32)
    oW2 = jax.random.normal(ks[13], (D, D), jnp.float32) * 0.05
    ob2 = jnp.zeros((D,), jnp.float32)
    oW3 = jax.random.normal(ks[14], (D, 1), jnp.float32) * 0.05
    ob3 = jnp.zeros((1,), jnp.float32)
    return dict(Z=Z, R=R, idx_i=idx_i, idx_j=idx_j, idx_m=idx_m, batch_num=B,
                emb=emb, fW=fW, fb=fb, iW1=iW1, ib1=ib1, iW2=iW2, ib2=ib2,
                mW1=mW1, mb1=mb1, mW2=mW2, mb2=mb2, muW=muW,
                oW1=oW1, ob1=ob1, oW2=oW2, ob2=ob2, oW3=oW3, ob3=ob3)


def reference(Z, R, idx_i, idx_j, idx_m, batch_num, emb, fW, fb,
              iW1, ib1, iW2, ib2, mW1, mb1, mW2, mb2, muW,
              oW1, ob1, oW2, ob2, oW3, ob3):
    n_atoms = Z.shape[0]
    # PairwiseDistances: Rij = R[idx_j] - R[idx_i]
    r_ij = R[idx_j] - R[idx_i]
    d_ij = jnp.sqrt(jnp.sum(r_ij ** 2, axis=1, keepdims=True))  # [E,1]
    # GaussianRBF(n_rbf=20, cutoff=5.0)
    offs = jnp.linspace(0.0, CUT, NRBF)
    width = offs[1] - offs[0]
    coeff = -0.5 / (width ** 2)
    phi = jnp.exp(coeff * (d_ij[..., None] - offs) ** 2)  # [E,1,NRBF]
    # CosineCutoff(5.0)
    fcut = 0.5 * (jnp.cos(d_ij * jnp.pi / CUT) + 1.0) * (d_ij < CUT).astype(d_ij.dtype)  # [E,1]
    filters = (phi @ fW + fb) * fcut[..., None]  # [E,1,NI*3D]
    flist = jnp.split(filters, NI, axis=-1)
    dir_ij = r_ij / d_ij  # [E,3]
    q = emb[Z][:, None, :]  # [N,1,D]
    mu = jnp.zeros((n_atoms, 3, D), jnp.float32)
    for i in range(NI):
        # PaiNNInteraction
        x = jax.nn.silu(q @ iW1[i] + ib1[i])
        x = x @ iW2[i] + ib2[i]  # [N,1,3D]
        xj = x[idx_j]  # gather [E,1,3D]
        xx = flist[i] * xj
        dq, dmuR, dmumu = jnp.split(xx, 3, axis=-1)  # each [E,1,D]
        dq = jnp.zeros((n_atoms, 1, D), jnp.float32).at[idx_i].add(dq)
        muj = mu[idx_j]  # [E,3,D]
        dmu = dmuR * dir_ij[:, :, None] + dmumu * muj  # [E,3,D]
        dmu = jnp.zeros((n_atoms, 3, D), jnp.float32).at[idx_i].add(dmu)
        q = q + dq
        mu = mu + dmu
        # PaiNNMixing
        mu_mix = mu @ muW[i]  # [N,3,2D]
        mu_V, mu_Wt = jnp.split(mu_mix, 2, axis=-1)
        mu_Vn = jnp.sqrt(jnp.sum(mu_V ** 2, axis=-2, keepdims=True) + 1e-08)  # [N,1,D]
        ctx = jnp.concatenate([q, mu_Vn], axis=-1)  # [N,1,2D]
        xm = jax.nn.silu(ctx @ mW1[i] + mb1[i])
        xm = xm @ mW2[i] + mb2[i]  # [N,1,3D]
        dq_i, dmu_i, dqmu_i = jnp.split(xm, 3, axis=-1)
        dmu_i = dmu_i * mu_Wt
        dqmu_i = dqmu_i * jnp.sum(mu_V * mu_Wt, axis=1, keepdims=True)
        q = q + dq_i + dqmu_i
        mu = mu + dmu_i
    qs = q[:, 0, :]
    h = jax.nn.silu(qs @ oW1 + ob1)
    h = jax.nn.silu(h @ oW2 + ob2)
    y = h @ oW3 + ob3  # [N,1]
    y = jnp.zeros((B, 1), jnp.float32).at[idx_m + batch_num * 0].add(y)
    return (y, mu)

if __name__ == "__main__":
    import jax
    _d = setup_inputs()
    print(jax.jit(kernel)(*tuple(_d.values())))

</pallas_src>

<mosaic_0001>
module attributes {stable_mosaic.version = 14 : i64} {
  func.func @_filters_body(%arg0: i32, %arg1: memref<2000x1xf32, #tpu.memory_space<vmem>>, %arg2: memref<20x1152xf32, #tpu.memory_space<vmem>>, %arg3: memref<1x1152xf32, #tpu.memory_space<vmem>>, %arg4: memref<2000x1152xf32, #tpu.memory_space<vmem>>) attributes {dimension_semantics = [#tpu.dimension_semantics<arbitrary>], iteration_bounds = array<i64: 80>, scalar_prefetch = 0 : i64, scratch_operands = 0 : i64, tpu.core_type = #tpu.core_type<tc>, window_params = [{transform_indices = @transform_0, window_bounds = array<i64: 2000, 1>}, {pipeline_mode = #tpu.pipeline_mode<synchronous>, transform_indices = @transform_1, window_bounds = array<i64: 20, 1152>}, {pipeline_mode = #tpu.pipeline_mode<synchronous>, transform_indices = @transform_2, window_bounds = array<i64: 1, 1152>}, {transform_indices = @transform_3, window_bounds = array<i64: 2000, 1152>}]} {
    %get3A = arith.constant 0 : index
    %get3A_0 = arith.constant 0 : index
    %get3A_1 = vector.load %arg1[%get3A, %get3A_0] : memref<2000x1xf32, #tpu.memory_space<vmem>>, vector<2000x1xf32>
    %iota3A = tpu.iota {dimensions = array<i32: 1>} : vector<2000x20xi32>
    %convert_element_type3A = arith.sitofp %iota3A : vector<2000x20xi32> to vector<2000x20xf32>
    %mul3A = arith.constant 0.263157904 : f32
    %mul3A_2 = vector.broadcast %mul3A : f32 to vector<2000x20xf32>
    %mul3A_3 = arith.mulf %convert_element_type3A, %mul3A_2 : vector<2000x20xf32>
    %sub3A = vector.broadcast %get3A_1 : vector<2000x1xf32> to vector<2000x20xf32>
    %sub3A_4 = arith.subf %sub3A, %mul3A_3 : vector<2000x20xf32>
    %integer_pow3A = arith.mulf %sub3A_4, %sub3A_4 : vector<2000x20xf32>
    %mul3A_5 = arith.constant -7.220000e+00 : f32
    %mul3A_6 = vector.broadcast %mul3A_5 : f32 to vector<2000x20xf32>
    %mul3A_7 = arith.mulf %mul3A_6, %integer_pow3A : vector<2000x20xf32>
    %exp3A = math.exp %mul3A_7 : vector<2000x20xf32>
    %mul3A_8 = arith.constant 0.628318548 : f32
    %mul3A_9 = vector.broadcast %mul3A_8 : f32 to vector<2000x1xf32>
    %mul3A_10 = arith.mulf %get3A_1, %mul3A_9 : vector<2000x1xf32>
    %cos3A = math.cos %mul3A_10 : vector<2000x1xf32>
    %add3A = arith.constant 1.000000e+00 : f32
    %add3A_11 = vector.broadcast %add3A : f32 to vector<2000x1xf32>
    %add3A_12 = arith.addf %cos3A, %add3A_11 : vector<2000x1xf32>
    %mul3A_13 = arith.constant 5.000000e-01 : f32
    %mul3A_14 = vector.broadcast %mul3A_13 : f32 to vector<2000x1xf32>
    %mul3A_15 = arith.mulf %mul3A_14, %add3A_12 : vector<2000x1xf32>
    %lt3A = arith.constant 5.000000e+00 : f32
    %lt3A_16 = vector.broadcast %lt3A : f32 to vector<2000x1xf32>
    %lt3A_17 = arith.cmpf olt, %get3A_1, %lt3A_16 : vector<2000x1xf32>
    %convert_element_type3A_18 = arith.extui %lt3A_17 : vector<2000x1xi1> to vector<2000x1xi32>
    %convert_element_type3A_19 = arith.sitofp %convert_element_type3A_18 : vector<2000x1xi32> to vector<2000x1xf32>
    %mul3A_20 = arith.mulf %mul3A_15, %convert_element_type3A_19 : vector<2000x1xf32>
    %get3A_21 = arith.constant 0 : index
    %get3A_22 = arith.constant 0 : index
    %get3A_23 = vector.load %arg2[%get3A_21, %get3A_22] : memref<20x1152xf32, #tpu.memory_space<vmem>>, vector<20x1152xf32>
    %dot_general3A = arith.constant dense<0.000000e+00> : vector<2000x1152xf32>
    %dot_general3A_24 = tpu.matmul %exp3A, %get3A_23, %dot_general3A {dimension_numbers = #tpu.dot_dimension_numbers<[1], [0], [0], [1], [0, 0, 1, 1], [], []>, transpose_lhs_hint = false} : vector<2000x20xf32>, vector<20x1152xf32>, vector<2000x1152xf32> -> vector<2000x1152xf32>
    %get3A_25 = arith.constant 0 : index
    %get3A_26 = arith.constant 0 : index
    %get3A_27 = vector.load %arg3[%get3A_25, %get3A_26] : memref<1x1152xf32, #tpu.memory_space<vmem>>, vector<1x1152xf32>
    %add3A_28 = vector.broadcast %get3A_27 : vector<1x1152xf32> to vector<2000x1152xf32>
    %add3A_29 = arith.addf %dot_general3A_24, %add3A_28 : vector<2000x1152xf32>
    %mul3A_30 = vector.broadcast %mul3A_20 : vector<2000x1xf32> to vector<2000x1152xf32>
    %mul3A_31 = arith.mulf %add3A_29, %mul3A_30 : vector<2000x1152xf32>
    %swap3A = arith.constant 0 : index
    %swap3A_32 = arith.constant 0 : index
    %swap3A_33 = vector.load %arg4[%swap3A, %swap3A_32] : memref<2000x1152xf32, #tpu.memory_space<vmem>>, vector<2000x1152xf32>
    tpu.vector_store %arg4[%swap3A, %swap3A_32], %mul3A_31 {strides = array<i32>} : memref<2000x1152xf32, #tpu.memory_space<vmem>>, vector<2000x1152xf32>,
    return
  }
  func.func @transform_0(%arg0: i32) -> (i32, i32) {
    %c0_i32 = arith.constant 0 : i32
    %c0_i32_0 = arith.constant 0 : i32
    return %arg0, %c0_i32 : i32, i32
  }
  func.func @transform_1(%arg0: i32) -> (i32, i32) {
    %c0_i32 = arith.constant 0 : i32
    %c0_i32_0 = arith.constant 0 : i32
    %c0_i32_1 = arith.constant 0 : i32
    return %c0_i32, %c0_i32_0 : i32, i32
  }
  func.func @transform_2(%arg0: i32) -> (i32, i32) {
    %c0_i32 = arith.constant 0 : i32
    %c0_i32_0 = arith.constant 0 : i32
    %c0_i32_1 = arith.constant 0 : i32
    return %c0_i32, %c0_i32_0 : i32, i32
  }
  func.func @transform_3(%arg0: i32) -> (i32, i32) {
    %c0_i32 = arith.constant 0 : i32
    %c0_i32_0 = arith.constant 0 : i32
    return %arg0, %c0_i32 : i32, i32
  }
}

module attributes {stable_mosaic.version = 14 : i64} {
  func.func @_edge_seg_body(%arg0: i32, %arg1: memref<128xi32, #tpu.memory_space<smem>>, %arg2: memref<128xi32, #tpu.memory_space<smem>>, %arg3: memref<128xi32, #tpu.memory_space<smem>>, %arg4: memref<128xi32, #tpu.memory_space<smem>>, %arg5: memref<128xi32, #tpu.memory_space<smem>>, %arg6: memref<2000x192xf32, #tpu.memory_space<vmem>>, %arg7: memref<2000x8xf32, #tpu.memory_space<vmem>>, %arg8: memref<2000x384xf32, #tpu.memory_space<vmem>>, %arg9: memref<1x1x2000xi32, #tpu.memory_space<vmem>>, %arg10: memref<256x512xf32, #tpu.memory_space<vmem>>, %arg11: memref<2000x512xf32, #tpu.memory_space<vmem>>) attributes {dimension_semantics = [#tpu.dimension_semantics<arbitrary>], iteration_bounds = array<i64: 128>, scalar_prefetch = 5 : i64, scratch_operands = 1 : i64, tpu.core_type = #tpu.core_type<tc>, window_params = [{transform_indices = @transform_0, window_bounds = array<i64: 2000, 192>}, {transform_indices = @transform_1, window_bounds = array<i64: 2000, 8>}, {transform_indices = @transform_2, window_bounds = array<i64: 2000, 384>}, {transform_indices = @transform_3, window_bounds = array<i64: 1, 1, 2000>}, {transform_indices = @transform_4, window_bounds = array<i64: 256, 512>}]} {
    %get3A = arith.index_cast %arg0 : i32 to index
    %get3A_0 = memref.load %arg2[%get3A] : memref<128xi32, #tpu.memory_space<smem>>
    %get3A_1 = arith.index_cast %arg0 : i32 to index
    %get3A_2 = memref.load %arg3[%get3A_1] : memref<128xi32, #tpu.memory_space<smem>>
    %get3A_3 = arith.index_cast %arg0 : i32 to index
    %get3A_4 = memref.load %arg4[%get3A_3] : memref<128xi32, #tpu.memory_space<smem>>
    %convert_element_type3A = arith.sitofp %get3A_4 : i32 to f32
    %get3A_5 = arith.index_cast %arg0 : i32 to index
    %get3A_6 = memref.load %arg5[%get3A_5] : memref<128xi32, #tpu.memory_space<smem>>
    %eq3A = arith.constant 1 : i32
    %eq3A_7 = arith.cmpi eq, %get3A_6, %eq3A : i32
    %convert_element_type3A_8 = arith.extui %eq3A_7 : i1 to i32
    %cond3A = arith.constant 0 : i32
    %cond3A_9 = arith.cmpi ne, %convert_element_type3A_8, %cond3A : i32
    scf.if %cond3A_9 {
      %get3A_37 = arith.constant 0 : index
      %get3A_38 = arith.constant 0 : index
      %get3A_39 = vector.load %arg8[%get3A_37, %get3A_38] : memref<2000x384xf32, #tpu.memory_space<vmem>>, vector<2000x384xf32>
      %get3A_40 = arith.constant 0 : index
      %get3A_41 = arith.constant 0 : index
      %get3A_42 = vector.load %arg6[%get3A_40, %get3A_41] : memref<2000x192xf32, #tpu.memory_space<vmem>>, vector<2000x192xf32>
      %bitcast_convert_type3A = tpu.bitcast %get3A_42 : vector<2000x192xf32> -> vector<2000x192xi32>
      %shift_left3A = arith.constant 16 : i32
      %shift_left3A_43 = vector.broadcast %shift_left3A : i32 to vector<2000x192xi32>
      %shift_left3A_44 = arith.shli %bitcast_convert_type3A, %shift_left3A_43 : vector<2000x192xi32>
      %bitcast_convert_type3A_45 = tpu.bitcast %shift_left3A_44 : vector<2000x192xi32> -> vector<2000x192xf32>
      %and3A = arith.constant -65536 : i32
      %and3A_46 = vector.broadcast %and3A : i32 to vector<2000x192xi32>
      %and3A_47 = arith.andi %bitcast_convert_type3A, %and3A_46 : vector<2000x192xi32>
      %bitcast_convert_type3A_48 = tpu.bitcast %and3A_47 : vector<2000x192xi32> -> vector<2000x192xf32>
      %concatenate3A = tpu.concatenate %bitcast_convert_type3A_45, %bitcast_convert_type3A_48 in 1 : vector<2000x192xf32>, vector<2000x192xf32> -> vector<2000x384xf32>
      %mul3A_49 = arith.mulf %get3A_39, %concatenate3A : vector<2000x384xf32>
      %slice3A = vector.extract_strided_slice %mul3A_49 {offsets = [0, 128], sizes = [2000, 128], strides = [1, 1]} : vector<2000x384xf32> to vector<2000x128xf32>
      %slice3A_50 = vector.extract_strided_slice %mul3A_49 {offsets = [0, 0], sizes = [2000, 128], strides = [1, 1]} : vector<2000x384xf32> to vector<2000x128xf32>
      %swap3A = arith.constant 0 : index
      %swap3A_51 = arith.constant 0 : index
      %swap3A_52 = vector.load %arg11[%swap3A, %swap3A_51] : memref<2000x512xf32, #tpu.memory_space<vmem>>, vector<2000x128xf32>
      tpu.vector_store %arg11[%swap3A, %swap3A_51], %slice3A_50 {strides = array<i32>} : memref<2000x512xf32, #tpu.memory_space<vmem>>, vector<2000x128xf32>,
      %get3A_53 = arith.constant 0 : index
      %get3A_54 = arith.constant 0 : index
      %get3A_55 = vector.load %arg7[%get3A_53, %get3A_54] : memref<2000x8xf32, #tpu.memory_space<vmem>>, vector<2000x1xf32>
      %mul3A_56 = vector.broadcast %get3A_55 : vector<2000x1xf32> to vector<2000x128xf32>
      %mul3A_57 = arith.mulf %slice3A, %mul3A_56 : vector<2000x128xf32>
      %swap3A_58 = arith.constant 0 : index
      %swap3A_59 = arith.constant 128 : index
      %swap3A_60 = vector.load %arg11[%swap3A_58, %swap3A_59] : memref<2000x512xf32, #tpu.memory_space<vmem>>, vector<2000x128xf32>
      tpu.vector_store %arg11[%swap3A_58, %swap3A_59], %mul3A_57 {strides = array<i32>} : memref<2000x512xf32, #tpu.memory_space<vmem>>, vector<2000x128xf32>,
      %get3A_61 = arith.constant 0 : index
      %get3A_62 = arith.constant 1 : index
      %get3A_63 = vector.load %arg7[%get3A_61, %get3A_62] : memref<2000x8xf32, #tpu.memory_space<vmem>>, vector<2000x1xf32>
      %mul3A_64 = vector.broadcast %get3A_63 : vector<2000x1xf32> to vector<2000x128xf32>
      %mul3A_65 = arith.mulf %slice3A, %mul3A_64 : vector<2000x128xf32>
      %swap3A_66 = arith.constant 0 : index
      %swap3A_67 = arith.constant 256 : index
      %swap3A_68 = vector.load %arg11[%swap3A_66, %swap3A_67] : memref<2000x512xf32, #tpu.memory_space<vmem>>, vector<2000x128xf32>
      tpu.vector_store %arg11[%swap3A_66, %swap3A_67], %mul3A_65 {strides = array<i32>} : memref<2000x512xf32, #tpu.memory_space<vmem>>, vector<2000x128xf32>,
      %get3A_69 = arith.constant 0 : index
      %get3A_70 = arith.constant 2 : index
      %get3A_71 = vector.load %arg7[%get3A_69, %get3A_70] : memref<2000x8xf32, #tpu.memory_space<vmem>>, vector<2000x1xf32>
      %mul3A_72 = vector.broadcast %get3A_71 : vector<2000x1xf32> to vector<2000x128xf32>
      %mul3A_73 = arith.mulf %slice3A, %mul3A_72 : vector<2000x128xf32>
      %swap3A_74 = arith.constant 0 : index
      %swap3A_75 = arith.constant 384 : index
      %swap3A_76 = vector.load %arg11[%swap3A_74, %swap3A_75] : memref<2000x512xf32, #tpu.memory_space<vmem>>, vector<2000x128xf32>
      tpu.vector_store %arg11[%swap3A_74, %swap3A_75], %mul3A_73 {strides = array<i32>} : memref<2000x512xf32, #tpu.memory_space<vmem>>, vector<2000x128xf32>,
    } else {
    }
    %get3A_10 = arith.constant 0 : index
    %get3A_11 = arith.constant 0 : index
    %get3A_12 = arith.constant 0 : index
    %get3A_13 = vector.load %arg9[%get3A_10, %get3A_11, %get3A_12] : memref<1x1x2000xi32, #tpu.memory_space<vmem>>, vector<1x1x2000xi32>
    %get3A_14 = vector.shape_cast %get3A_13 : vector<1x1x2000xi32> to vector<1x2000xi32>
    %mul3A = arith.constant 256 : i32
    %mul3A_15 = arith.muli %get3A_0, %mul3A : i32
    %sub3A = vector.broadcast %mul3A_15 : i32 to vector<1x2000xi32>
    %sub3A_16 = arith.subi %get3A_14, %sub3A : vector<1x2000xi32>
    %iota3A = tpu.iota {dimensions = array<i32: 0>} : vector<256x2000xi32>
    %eq3A_17 = vector.broadcast %sub3A_16 : vector<1x2000xi32> to vector<256x2000xi32>
    %eq3A_18 = arith.cmpi eq, %iota3A, %eq3A_17 : vector<256x2000xi32>
    %convert_element_type3A_19 = arith.extui %eq3A_18 : vector<256x2000xi1> to vector<256x2000xi32>
    %convert_element_type3A_20 = arith.sitofp %convert_element_type3A_19 : vector<256x2000xi32> to vector<256x2000xf32>
    %mul3A_21 = vector.broadcast %convert_element_type3A : f32 to vector<256x2000xf32>
    %mul3A_22 = arith.mulf %convert_element_type3A_20, %mul3A_21 : vector<256x2000xf32>
    %get3A_23 = arith.constant 0 : index
    %get3A_24 = arith.constant 0 : index
    %get3A_25 = vector.load %arg11[%get3A_23, %get3A_24] : memref<2000x512xf32, #tpu.memory_space<vmem>>, vector<2000x512xf32>
    %dot_general3A = arith.constant dense<0.000000e+00> : vector<256x512xf32>
    %dot_general3A_26 = tpu.matmul %mul3A_22, %get3A_25, %dot_general3A {dimension_numbers = #tpu.dot_dimension_numbers<[1], [0], [0], [1], [0, 0, 1, 1], [], []>, transpose_lhs_hint = false} : vector<256x2000xf32>, vector<2000x512xf32>, vector<256x512xf32> -> vector<256x512xf32>
    %eq3A_27 = arith.constant 1 : i32
    %eq3A_28 = arith.cmpi eq, %get3A_2, %eq3A_27 : i32
    %convert_element_type3A_29 = arith.extui %eq3A_28 : i1 to i32
    %cond3A_30 = arith.constant 0 : i32
    %cond3A_31 = arith.cmpi ne, %convert_element_type3A_29, %cond3A_30 : i32
    scf.if %cond3A_31 {
      %swap3A = arith.constant 0 : index
      %swap3A_37 = arith.constant 0 : index
      %swap3A_38 = vector.load %arg10[%swap3A, %swap3A_37] : memref<256x512xf32, #tpu.memory_space<vmem>>, vector<256x512xf32>
      tpu.vector_store %arg10[%swap3A, %swap3A_37], %dot_general3A_26 {strides = array<i32>} : memref<256x512xf32, #tpu.memory_space<vmem>>, vector<256x512xf32>,
    } else {
    }
    %eq3A_32 = arith.constant 0 : i32
    %eq3A_33 = arith.cmpi eq, %get3A_2, %eq3A_32 : i32
    %convert_element_type3A_34 = arith.extui %eq3A_33 : i1 to i32
    %cond3A_35 = arith.constant 0 : i32
    %cond3A_36 = arith.cmpi ne, %convert_element_type3A_34, %cond3A_35 : i32
    scf.if %cond3A_36 {
      %get3A_37 = arith.constant 0 : index
      %get3A_38 = arith.constant 0 : index
      %get3A_39 = vector.load %arg10[%get3A_37, %get3A_38] : memref<256x512xf32, #tpu.memory_space<vmem>>, vector<256x512xf32>
      %add3A = arith.addf %get3A_39, %dot_general3A_26 : vector<256x512xf32>
      %swap3A = arith.constant 0 : index
      %swap3A_40 = arith.constant 0 : index
      %swap3A_41 = vector.load %arg10[%swap3A, %swap3A_40] : memref<256x512xf32, #tpu.memory_space<vmem>>, vector<256x512xf32>
      tpu.vector_store %arg10[%swap3A, %swap3A_40], %add3A {strides = array<i32>} : memref<256x512xf32, #tpu.memory_space<vmem>>, vector<256x512xf32>,
    } else {
    }
    return
  }
  func.func @transform_0(%arg0: i32, %arg1: memref<128xi32, #tpu.memory_space<smem>>, %arg2: memref<128xi32, #tpu.memory_space<smem>>, %arg3: memref<128xi32, #tpu.memory_space<smem>>, %arg4: memref<128xi32, #tpu.memory_space<smem>>, %arg5: memref<128xi32, #tpu.memory_space<smem>>) -> (i32, i32) {
    %get3A = arith.index_cast %arg0 : i32 to index
    %get3A_0 = memref.load %arg1[%get3A] : memref<128xi32, #tpu.memory_space<smem>>
    %c0_i32 = arith.constant 0 : i32
    %c0_i32_1 = arith.constant 0 : i32
    return %get3A_0, %c0_i32 : i32, i32
  }
  func.func @transform_1(%arg0: i32, %arg1: memref<128xi32, #tpu.memory_space<smem>>, %arg2: memref<128xi32, #tpu.memory_space<smem>>, %arg3: memref<128xi32, #tpu.memory_space<smem>>, %arg4: memref<128xi32, #tpu.memory_space<smem>>, %arg5: memref<128xi32, #tpu.memory_space<smem>>) -> (i32, i32) {
    %get3A = arith.index_cast %arg0 : i32 to index
    %get3A_0 = memref.load %arg1[%get3A] : memref<128xi32, #tpu.memory_space<smem>>
    %c0_i32 = arith.constant 0 : i32
    %c0_i32_1 = arith.constant 0 : i32
    return %get3A_0, %c0_i32 : i32, i32
  }
  func.func @transform_2(%arg0: i32, %arg1: memref<128xi32, #tpu.memory_space<smem>>, %arg2: memref<128xi32, #tpu.memory_space<smem>>, %arg3: memref<128xi32, #tpu.memory_space<smem>>, %arg4: memref<128xi32, #tpu.memory_space<smem>>, %arg5: memref<128xi32, #tpu.memory_space<smem>>) -> (i32, i32) {
    %get3A = arith.index_cast %arg0 : i32 to index
    %get3A_0 = memref.load %arg1[%get3A] : memref<128xi32, #tpu.memory_space<smem>>
    %c0_i32 = arith.constant 0 : i32
    %c0_i32_1 = arith.constant 0 : i32
    return %get3A_0, %c0_i32 : i32, i32
  }
  func.func @transform_3(%arg0: i32, %arg1: memref<128xi32, #tpu.memory_space<smem>>, %arg2: memref<128xi32, #tpu.memory_space<smem>>, %arg3: memref<128xi32, #tpu.memory_space<smem>>, %arg4: memref<128xi32, #tpu.memory_space<smem>>, %arg5: memref<128xi32, #tpu.memory_space<smem>>) -> (i32, i32, i32) {
    %get3A = arith.index_cast %arg0 : i32 to index
    %get3A_0 = memref.load %arg1[%get3A] : memref<128xi32, #tpu.memory_space<smem>>
    %c0_i32 = arith.constant 0 : i32
    %c0_i32_1 = arith.constant 0 : i32
    %c0_i32_2 = arith.constant 0 : i32
    return %get3A_0, %c0_i32, %c0_i32_1 : i32, i32, i32
  }
  func.func @transform_4(%arg0: i32, %arg1: memref<128xi32, #tpu.memory_space<smem>>, %arg2: memref<128xi32, #tpu.memory_space<smem>>, %arg3: memref<128xi32, #tpu.memory_space<smem>>, %arg4: memref<128xi32, #tpu.memory_space<smem>>, %arg5: memref<128xi32, #tpu.memory_space<smem>>) -> (i32, i32) {
    %get3A = arith.index_cast %arg0 : i32 to index
    %get3A_0 = memref.load %arg2[%get3A] : memref<128xi32, #tpu.memory_space<smem>>
    %c0_i32 = arith.constant 0 : i32
    %c0_i32_1 = arith.constant 0 : i32
    return %get3A_0, %c0_i32 : i32, i32
  }
}

module attributes {stable_mosaic.version = 14 : i64} {
  func.func @_edge_seg_body(%arg0: i32, %arg1: memref<128xi32, #tpu.memory_space<smem>>, %arg2: memref<128xi32, #tpu.memory_space<smem>>, %arg3: memref<128xi32, #tpu.memory_space<smem>>, %arg4: memref<128xi32, #tpu.memory_space<smem>>, %arg5: memref<128xi32, #tpu.memory_space<smem>>, %arg6: memref<2000x384xf32, #tpu.memory_space<vmem>>, %arg7: memref<2000x8xf32, #tpu.memory_space<vmem>>, %arg8: memref<2000x384xf32, #tpu.memory_space<vmem>>, %arg9: memref<1x1x2000xi32, #tpu.memory_space<vmem>>, %arg10: memref<256x512xf32, #tpu.memory_space<vmem>>, %arg11: memref<2000x512xf32, #tpu.memory_space<vmem>>) attributes {dimension_semantics = [#tpu.dimension_semantics<arbitrary>], iteration_bounds = array<i64: 128>, scalar_prefetch = 5 : i64, scratch_operands = 1 : i64, tpu.core_type = #tpu.core_type<tc>, window_params = [{transform_indices = @transform_0, window_bounds = array<i64: 2000, 384>}, {transform_indices = @transform_1, window_bounds = array<i64: 2000, 8>}, {transform_indices = @transform_2, window_bounds = array<i64: 2000, 384>}, {transform_indices = @transform_3, window_bounds = array<i64: 1, 1, 2000>}, {transform_indices = @transform_4, window_bounds = array<i64: 256, 512>}]} {
    %get3A = arith.index_cast %arg0 : i32 to index
    %get3A_0 = memref.load %arg2[%get3A] : memref<128xi32, #tpu.memory_space<smem>>
    %get3A_1 = arith.index_cast %arg0 : i32 to index
    %get3A_2 = memref.load %arg3[%get3A_1] : memref<128xi32, #tpu.memory_space<smem>>
    %get3A_3 = arith.index_cast %arg0 : i32 to index
    %get3A_4 = memref.load %arg4[%get3A_3] : memref<128xi32, #tpu.memory_space<smem>>
    %convert_element_type3A = arith.sitofp %get3A_4 : i32 to f32
    %get3A_5 = arith.index_cast %arg0 : i32 to index
    %get3A_6 = memref.load %arg5[%get3A_5] : memref<128xi32, #tpu.memory_space<smem>>
    %eq3A = arith.constant 1 : i32
    %eq3A_7 = arith.cmpi eq, %get3A_6, %eq3A : i32
    %convert_element_type3A_8 = arith.extui %eq3A_7 : i1 to i32
    %cond3A = arith.constant 0 : i32
    %cond3A_9 = arith.cmpi ne, %convert_element_type3A_8, %cond3A : i32
    scf.if %cond3A_9 {
      %get3A_37 = arith.constant 0 : index
      %get3A_38 = arith.constant 0 : index
      %get3A_39 = vector.load %arg8[%get3A_37, %get3A_38] : memref<2000x384xf32, #tpu.memory_space<vmem>>, vector<2000x384xf32>
      %get3A_40 = arith.constant 0 : index
      %get3A_41 = arith.constant 0 : index
      %get3A_42 = vector.load %arg6[%get3A_40, %get3A_41] : memref<2000x384xf32, #tpu.memory_space<vmem>>, vector<2000x384xf32>
      %bitcast_convert_type3A = tpu.bitcast %get3A_42 : vector<2000x384xf32> -> vector<2000x384xi32>
      %shift_left3A = arith.constant 16 : i32
      %shift_left3A_43 = vector.broadcast %shift_left3A : i32 to vector<2000x384xi32>
      %shift_left3A_44 = arith.shli %bitcast_convert_type3A, %shift_left3A_43 : vector<2000x384xi32>
      %bitcast_convert_type3A_45 = tpu.bitcast %shift_left3A_44 : vector<2000x384xi32> -> vector<2000x384xf32>
      %and3A = arith.constant -65536 : i32
      %and3A_46 = vector.broadcast %and3A : i32 to vector<2000x384xi32>
      %and3A_47 = arith.andi %bitcast_convert_type3A, %and3A_46 : vector<2000x384xi32>
      %bitcast_convert_type3A_48 = tpu.bitcast %and3A_47 : vector<2000x384xi32> -> vector<2000x384xf32>
      %concatenate3A = tpu.concatenate %bitcast_convert_type3A_45, %bitcast_convert_type3A_48 in 1 : vector<2000x384xf32>, vector<2000x384xf32> -> vector<2000x768xf32>
      %slice3A = vector.extract_strided_slice %concatenate3A {offsets = [0, 0], sizes = [2000, 384], strides = [1, 1]} : vector<2000x768xf32> to vector<2000x384xf32>
      %mul3A_49 = arith.mulf %get3A_39, %slice3A : vector<2000x384xf32>
      %slice3A_50 = vector.extract_strided_slice %mul3A_49 {offsets = [0, 128], sizes = [2000, 128], strides = [1, 1]} : vector<2000x384xf32> to vector<2000x128xf32>
      %slice3A_51 = vector.extract_strided_slice %mul3A_49 {offsets = [0, 256], sizes = [2000, 128], strides = [1, 1]} : vector<2000x384xf32> to vector<2000x128xf32>
      %slice3A_52 = vector.extract_strided_slice %mul3A_49 {offsets = [0, 0], sizes = [2000, 128], strides = [1, 1]} : vector<2000x384xf32> to vector<2000x128xf32>
      %swap3A = arith.constant 0 : index
      %swap3A_53 = arith.constant 0 : index
      %swap3A_54 = vector.load %arg11[%swap3A, %swap3A_53] : memref<2000x512xf32, #tpu.memory_space<vmem>>, vector<2000x128xf32>
      tpu.vector_store %arg11[%swap3A, %swap3A_53], %slice3A_52 {strides = array<i32>} : memref<2000x512xf32, #tpu.memory_space<vmem>>, vector<2000x128xf32>,
      %get3A_55 = arith.constant 0 : index
      %get3A_56 = arith.constant 0 : index
      %get3A_57 = vector.load %arg7[%get3A_55, %get3A_56] : memref<2000x8xf32, #tpu.memory_space<vmem>>, vector<2000x1xf32>
      %mul3A_58 = vector.broadcast %get3A_57 : vector<2000x1xf32> to vector<2000x128xf32>
      %mul3A_59 = arith.mulf %slice3A_50, %mul3A_58 : vector<2000x128xf32>
      %slice3A_60 = vector.extract_strided_slice %concatenate3A {offsets = [0, 384], sizes = [2000, 128], strides = [1, 1]} : vector<2000x768xf32> to vector<2000x128xf32>
      %mul3A_61 = arith.mulf %slice3A_51, %slice3A_60 : vector<2000x128xf32>
      %add3A = arith.addf %mul3A_59, %mul3A_61 : vector<2000x128xf32>
      %swap3A_62 = arith.constant 0 : index
      %swap3A_63 = arith.constant 128 : index
      %swap3A_64 = vector.load %arg11[%swap3A_62, %swap3A_63] : memref<2000x512xf32, #tpu.memory_space<vmem>>, vector<2000x128xf32>
      tpu.vector_store %arg11[%swap3A_62, %swap3A_63], %add3A {strides = array<i32>} : memref<2000x512xf32, #tpu.memory_space<vmem>>, vector<2000x128xf32>,
      %get3A_65 = arith.constant 0 : index
      %get3A_66 = arith.constant 1 : index
      %get3A_67 = vector.load %arg7[%get3A_65, %get3A_66] : memref<2000x8xf32, #tpu.memory_space<vmem>>, vector<2000x1xf32>
      %mul3A_68 = vector.broadcast %get3A_67 : vector<2000x1xf32> to vector<2000x128xf32>
      %mul3A_69 = arith.mulf %slice3A_50, %mul3A_68 : vector<2000x128xf32>
      %slice3A_70 = vector.extract_strided_slice %concatenate3A {offsets = [0, 512], sizes = [2000, 128], strides = [1, 1]} : vector<2000x768xf32> to vector<2000x128xf32>
      %mul3A_71 = arith.mulf %slice3A_51, %slice3A_70 : vector<2000x128xf32>
      %add3A_72 = arith.addf %mul3A_69, %mul3A_71 : vector<2000x128xf32>
      %swap3A_73 = arith.constant 0 : index
      %swap3A_74 = arith.constant 256 : index
      %swap3A_75 = vector.load %arg11[%swap3A_73, %swap3A_74] : memref<2000x512xf32, #tpu.memory_space<vmem>>, vector<2000x128xf32>
      tpu.vector_store %arg11[%swap3A_73, %swap3A_74], %add3A_72 {strides = array<i32>} : memref<2000x512xf32, #tpu.memory_space<vmem>>, vector<2000x128xf32>,
      %get3A_76 = arith.constant 0 : index
      %get3A_77 = arith.constant 2 : index
      %get3A_78 = vector.load %arg7[%get3A_76, %get3A_77] : memref<2000x8xf32, #tpu.memory_space<vmem>>, vector<2000x1xf32>
      %mul3A_79 = vector.broadcast %get3A_78 : vector<2000x1xf32> to vector<2000x128xf32>
      %mul3A_80 = arith.mulf %slice3A_50, %mul3A_79 : vector<2000x128xf32>
      %slice3A_81 = vector.extract_strided_slice %concatenate3A {offsets = [0, 640], sizes = [2000, 128], strides = [1, 1]} : vector<2000x768xf32> to vector<2000x128xf32>
      %mul3A_82 = arith.mulf %slice3A_51, %slice3A_81 : vector<2000x128xf32>
      %add3A_83 = arith.addf %mul3A_80, %mul3A_82 : vector<2000x128xf32>
      %swap3A_84 = arith.constant 0 : index
      %swap3A_85 = arith.constant 384 : index
      %swap3A_86 = vector.load %arg11[%swap3A_84, %swap3A_85] : memref<2000x512xf32, #tpu.memory_space<vmem>>, vector<2000x128xf32>
      tpu.vector_store %arg11[%swap3A_84, %swap3A_85], %add3A_83 {strides = array<i32>} : memref<2000x512xf32, #tpu.memory_space<vmem>>, vector<2000x128xf32>,
    } else {
    }
    %get3A_10 = arith.constant 0 : index
    %get3A_11 = arith.constant 0 : index
    %get3A_12 = arith.constant 0 : index
    %get3A_13 = vector.load %arg9[%get3A_10, %get3A_11, %get3A_12] : memref<1x1x2000xi32, #tpu.memory_space<vmem>>, vector<1x1x2000xi32>
    %get3A_14 = vector.shape_cast %get3A_13 : vector<1x1x2000xi32> to vector<1x2000xi32>
    %mul3A = arith.constant 256 : i32
    %mul3A_15 = arith.muli %get3A_0, %mul3A : i32
    %sub3A = vector.broadcast %mul3A_15 : i32 to vector<1x2000xi32>
    %sub3A_16 = arith.subi %get3A_14, %sub3A : vector<1x2000xi32>
    %iota3A = tpu.iota {dimensions = array<i32: 0>} : vector<256x2000xi32>
    %eq3A_17 = vector.broadcast %sub3A_16 : vector<1x2000xi32> to vector<256x2000xi32>
    %eq3A_18 = arith.cmpi eq, %iota3A, %eq3A_17 : vector<256x2000xi32>
    %convert_element_type3A_19 = arith.extui %eq3A_18 : vector<256x2000xi1> to vector<256x2000xi32>
    %convert_element_type3A_20 = arith.sitofp %convert_element_type3A_19 : vector<256x2000xi32> to vector<256x2000xf32>
    %mul3A_21 = vector.broadcast %convert_element_type3A : f32 to vector<256x2000xf32>
    %mul3A_22 = arith.mulf %convert_element_type3A_20, %mul3A_21 : vector<256x2000xf32>
    %get3A_23 = arith.constant 0 : index
    %get3A_24 = arith.constant 0 : index
    %get3A_25 = vector.load %arg11[%get3A_23, %get3A_24] : memref<2000x512xf32, #tpu.memory_space<vmem>>, vector<2000x512xf32>
    %dot_general3A = arith.constant dense<0.000000e+00> : vector<256x512xf32>
    %dot_general3A_26 = tpu.matmul %mul3A_22, %get3A_25, %dot_general3A {dimension_numbers = #tpu.dot_dimension_numbers<[1], [0], [0], [1], [0, 0, 1, 1], [], []>, transpose_lhs_hint = false} : vector<256x2000xf32>, vector<2000x512xf32>, vector<256x512xf32> -> vector<256x512xf32>
    %eq3A_27 = arith.constant 1 : i32
    %eq3A_28 = arith.cmpi eq, %get3A_2, %eq3A_27 : i32
    %convert_element_type3A_29 = arith.extui %eq3A_28 : i1 to i32
    %cond3A_30 = arith.constant 0 : i32
    %cond3A_31 = arith.cmpi ne, %convert_element_type3A_29, %cond3A_30 : i32
    scf.if %cond3A_31 {
      %swap3A = arith.constant 0 : index
      %swap3A_37 = arith.constant 0 : index
      %swap3A_38 = vector.load %arg10[%swap3A, %swap3A_37] : memref<256x512xf32, #tpu.memory_space<vmem>>, vector<256x512xf32>
      tpu.vector_store %arg10[%swap3A, %swap3A_37], %dot_general3A_26 {strides = array<i32>} : memref<256x512xf32, #tpu.memory_space<vmem>>, vector<256x512xf32>,
    } else {
    }
    %eq3A_32 = arith.constant 0 : i32
    %eq3A_33 = arith.cmpi eq, %get3A_2, %eq3A_32 : i32
    %convert_element_type3A_34 = arith.extui %eq3A_33 : i1 to i32
    %cond3A_35 = arith.constant 0 : i32
    %cond3A_36 = arith.cmpi ne, %convert_element_type3A_34, %cond3A_35 : i32
    scf.if %cond3A_36 {
      %get3A_37 = arith.constant 0 : index
      %get3A_38 = arith.constant 0 : index
      %get3A_39 = vector.load %arg10[%get3A_37, %get3A_38] : memref<256x512xf32, #tpu.memory_space<vmem>>, vector<256x512xf32>
      %add3A = arith.addf %get3A_39, %dot_general3A_26 : vector<256x512xf32>
      %swap3A = arith.constant 0 : index
      %swap3A_40 = arith.constant 0 : index
      %swap3A_41 = vector.load %arg10[%swap3A, %swap3A_40] : memref<256x512xf32, #tpu.memory_space<vmem>>, vector<256x512xf32>
      tpu.vector_store %arg10[%swap3A, %swap3A_40], %add3A {strides = array<i32>} : memref<256x512xf32, #tpu.memory_space<vmem>>, vector<256x512xf32>,
    } else {
    }
    return
  }
  func.func @transform_0(%arg0: i32, %arg1: memref<128xi32, #tpu.memory_space<smem>>, %arg2: memref<128xi32, #tpu.memory_space<smem>>, %arg3: memref<128xi32, #tpu.memory_space<smem>>, %arg4: memref<128xi32, #tpu.memory_space<smem>>, %arg5: memref<128xi32, #tpu.memory_space<smem>>) -> (i32, i32) {
    %get3A = arith.index_cast %arg0 : i32 to index
    %get3A_0 = memref.load %arg1[%get3A] : memref<128xi32, #tpu.memory_space<smem>>
    %c0_i32 = arith.constant 0 : i32
    %c0_i32_1 = arith.constant 0 : i32
    return %get3A_0, %c0_i32 : i32, i32
  }
  func.func @transform_1(%arg0: i32, %arg1: memref<128xi32, #tpu.memory_space<smem>>, %arg2: memref<128xi32, #tpu.memory_space<smem>>, %arg3: memref<128xi32, #tpu.memory_space<smem>>, %arg4: memref<128xi32, #tpu.memory_space<smem>>, %arg5: memref<128xi32, #tpu.memory_space<smem>>) -> (i32, i32) {
    %get3A = arith.index_cast %arg0 : i32 to index
    %get3A_0 = memref.load %arg1[%get3A] : memref<128xi32, #tpu.memory_space<smem>>
    %c0_i32 = arith.constant 0 : i32
    %c0_i32_1 = arith.constant 0 : i32
    return %get3A_0, %c0_i32 : i32, i32
  }
  func.func @transform_2(%arg0: i32, %arg1: memref<128xi32, #tpu.memory_space<smem>>, %arg2: memref<128xi32, #tpu.memory_space<smem>>, %arg3: memref<128xi32, #tpu.memory_space<smem>>, %arg4: memref<128xi32, #tpu.memory_space<smem>>, %arg5: memref<128xi32, #tpu.memory_space<smem>>) -> (i32, i32) {
    %get3A = arith.index_cast %arg0 : i32 to index
    %get3A_0 = memref.load %arg1[%get3A] : memref<128xi32, #tpu.memory_space<smem>>
    %c1_i32 = arith.constant 1 : i32
    %c0_i32 = arith.constant 0 : i32
    return %get3A_0, %c1_i32 : i32, i32
  }
  func.func @transform_3(%arg0: i32, %arg1: memref<128xi32, #tpu.memory_space<smem>>, %arg2: memref<128xi32, #tpu.memory_space<smem>>, %arg3: memref<128xi32, #tpu.memory_space<smem>>, %arg4: memref<128xi32, #tpu.memory_space<smem>>, %arg5: memref<128xi32, #tpu.memory_space<smem>>) -> (i32, i32, i32) {
    %get3A = arith.index_cast %arg0 : i32 to index
    %get3A_0 = memref.load %arg1[%get3A] : memref<128xi32, #tpu.memory_space<smem>>
    %c0_i32 = arith.constant 0 : i32
    %c0_i32_1 = arith.constant 0 : i32
    %c0_i32_2 = arith.constant 0 : i32
    return %get3A_0, %c0_i32, %c0_i32_1 : i32, i32, i32
  }
  func.func @transform_4(%arg0: i32, %arg1: memref<128xi32, #tpu.memory_space<smem>>, %arg2: memref<128xi32, #tpu.memory_space<smem>>, %arg3: memref<128xi32, #tpu.memory_space<smem>>, %arg4: memref<128xi32, #tpu.memory_space<smem>>, %arg5: memref<128xi32, #tpu.memory_space<smem>>) -> (i32, i32) {
    %get3A = arith.index_cast %arg0 : i32 to index
    %get3A_0 = memref.load %arg2[%get3A] : memref<128xi32, #tpu.memory_space<smem>>
    %c0_i32 = arith.constant 0 : i32
    %c0_i32_1 = arith.constant 0 : i32
    return %get3A_0, %c0_i32 : i32, i32
  }
}

module attributes {stable_mosaic.version = 14 : i64} {
  func.func @_edge_seg_body(%arg0: i32, %arg1: memref<128xi32, #tpu.memory_space<smem>>, %arg2: memref<128xi32, #tpu.memory_space<smem>>, %arg3: memref<128xi32, #tpu.memory_space<smem>>, %arg4: memref<128xi32, #tpu.memory_space<smem>>, %arg5: memref<128xi32, #tpu.memory_space<smem>>, %arg6: memref<2000x384xf32, #tpu.memory_space<vmem>>, %arg7: memref<2000x8xf32, #tpu.memory_space<vmem>>, %arg8: memref<2000x384xf32, #tpu.memory_space<vmem>>, %arg9: memref<1x1x2000xi32, #tpu.memory_space<vmem>>, %arg10: memref<256x512xf32, #tpu.memory_space<vmem>>, %arg11: memref<2000x512xf32, #tpu.memory_space<vmem>>) attributes {dimension_semantics = [#tpu.dimension_semantics<arbitrary>], iteration_bounds = array<i64: 128>, scalar_prefetch = 5 : i64, scratch_operands = 1 : i64, tpu.core_type = #tpu.core_type<tc>, window_params = [{transform_indices = @transform_0, window_bounds = array<i64: 2000, 384>}, {transform_indices = @transform_1, window_bounds = array<i64: 2000, 8>}, {transform_indices = @transform_2, window_bounds = array<i64: 2000, 384>}, {transform_indices = @transform_3, window_bounds = array<i64: 1, 1, 2000>}, {transform_indices = @transform_4, window_bounds = array<i64: 256, 512>}]} {
    %get3A = arith.index_cast %arg0 : i32 to index
    %get3A_0 = memref.load %arg2[%get3A] : memref<128xi32, #tpu.memory_space<smem>>
    %get3A_1 = arith.index_cast %arg0 : i32 to index
    %get3A_2 = memref.load %arg3[%get3A_1] : memref<128xi32, #tpu.memory_space<smem>>
    %get3A_3 = arith.index_cast %arg0 : i32 to index
    %get3A_4 = memref.load %arg4[%get3A_3] : memref<128xi32, #tpu.memory_space<smem>>
    %convert_element_type3A = arith.sitofp %get3A_4 : i32 to f32
    %get3A_5 = arith.index_cast %arg0 : i32 to index
    %get3A_6 = memref.load %arg5[%get3A_5] : memref<128xi32, #tpu.memory_space<smem>>
    %eq3A = arith.constant 1 : i32
    %eq3A_7 = arith.cmpi eq, %get3A_6, %eq3A : i32
    %convert_element_type3A_8 = arith.extui %eq3A_7 : i1 to i32
    %cond3A = arith.constant 0 : i32
    %cond3A_9 = arith.cmpi ne, %convert_element_type3A_8, %cond3A : i32
    scf.if %cond3A_9 {
      %get3A_37 = arith.constant 0 : index
      %get3A_38 = arith.constant 0 : index
      %get3A_39 = vector.load %arg8[%get3A_37, %get3A_38] : memref<2000x384xf32, #tpu.memory_space<vmem>>, vector<2000x384xf32>
      %get3A_40 = arith.constant 0 : index
      %get3A_41 = arith.constant 0 : index
      %get3A_42 = vector.load %arg6[%get3A_40, %get3A_41] : memref<2000x384xf32, #tpu.memory_space<vmem>>, vector<2000x384xf32>
      %bitcast_convert_type3A = tpu.bitcast %get3A_42 : vector<2000x384xf32> -> vector<2000x384xi32>
      %shift_left3A = arith.constant 16 : i32
      %shift_left3A_43 = vector.broadcast %shift_left3A : i32 to vector<2000x384xi32>
      %shift_left3A_44 = arith.shli %bitcast_convert_type3A, %shift_left3A_43 : vector<2000x384xi32>
      %bitcast_convert_type3A_45 = tpu.bitcast %shift_left3A_44 : vector<2000x384xi32> -> vector<2000x384xf32>
      %and3A = arith.constant -65536 : i32
      %and3A_46 = vector.broadcast %and3A : i32 to vector<2000x384xi32>
      %and3A_47 = arith.andi %bitcast_convert_type3A, %and3A_46 : vector<2000x384xi32>
      %bitcast_convert_type3A_48 = tpu.bitcast %and3A_47 : vector<2000x384xi32> -> vector<2000x384xf32>
      %concatenate3A = tpu.concatenate %bitcast_convert_type3A_45, %bitcast_convert_type3A_48 in 1 : vector<2000x384xf32>, vector<2000x384xf32> -> vector<2000x768xf32>
      %slice3A = vector.extract_strided_slice %concatenate3A {offsets = [0, 0], sizes = [2000, 384], strides = [1, 1]} : vector<2000x768xf32> to vector<2000x384xf32>
      %mul3A_49 = arith.mulf %get3A_39, %slice3A : vector<2000x384xf32>
      %slice3A_50 = vector.extract_strided_slice %mul3A_49 {offsets = [0, 128], sizes = [2000, 128], strides = [1, 1]} : vector<2000x384xf32> to vector<2000x128xf32>
      %slice3A_51 = vector.extract_strided_slice %mul3A_49 {offsets = [0, 256], sizes = [2000, 128], strides = [1, 1]} : vector<2000x384xf32> to vector<2000x128xf32>
      %slice3A_52 = vector.extract_strided_slice %mul3A_49 {offsets = [0, 0], sizes = [2000, 128], strides = [1, 1]} : vector<2000x384xf32> to vector<2000x128xf32>
      %swap3A = arith.constant 0 : index
      %swap3A_53 = arith.constant 0 : index
      %swap3A_54 = vector.load %arg11[%swap3A, %swap3A_53] : memref<2000x512xf32, #tpu.memory_space<vmem>>, vector<2000x128xf32>
      tpu.vector_store %arg11[%swap3A, %swap3A_53], %slice3A_52 {strides = array<i32>} : memref<2000x512xf32, #tpu.memory_space<vmem>>, vector<2000x128xf32>,
      %get3A_55 = arith.constant 0 : index
      %get3A_56 = arith.constant 0 : index
      %get3A_57 = vector.load %arg7[%get3A_55, %get3A_56] : memref<2000x8xf32, #tpu.memory_space<vmem>>, vector<2000x1xf32>
      %mul3A_58 = vector.broadcast %get3A_57 : vector<2000x1xf32> to vector<2000x128xf32>
      %mul3A_59 = arith.mulf %slice3A_50, %mul3A_58 : vector<2000x128xf32>
      %slice3A_60 = vector.extract_strided_slice %concatenate3A {offsets = [0, 384], sizes = [2000, 128], strides = [1, 1]} : vector<2000x768xf32> to vector<2000x128xf32>
      %mul3A_61 = arith.mulf %slice3A_51, %slice3A_60 : vector<2000x128xf32>
      %add3A = arith.addf %mul3A_59, %mul3A_61 : vector<2000x128xf32>
      %swap3A_62 = arith.constant 0 : index
      %swap3A_63 = arith.constant 128 : index
      %swap3A_64 = vector.load %arg11[%swap3A_62, %swap3A_63] : memref<2000x512xf32, #tpu.memory_space<vmem>>, vector<2000x128xf32>
      tpu.vector_store %arg11[%swap3A_62, %swap3A_63], %add3A {strides = array<i32>} : memref<2000x512xf32, #tpu.memory_space<vmem>>, vector<2000x128xf32>,
      %get3A_65 = arith.constant 0 : index
      %get3A_66 = arith.constant 1 : index
      %get3A_67 = vector.load %arg7[%get3A_65, %get3A_66] : memref<2000x8xf32, #tpu.memory_space<vmem>>, vector<2000x1xf32>
      %mul3A_68 = vector.broadcast %get3A_67 : vector<2000x1xf32> to vector<2000x128xf32>
      %mul3A_69 = arith.mulf %slice3A_50, %mul3A_68 : vector<2000x128xf32>
      %slice3A_70 = vector.extract_strided_slice %concatenate3A {offsets = [0, 512], sizes = [2000, 128], strides = [1, 1]} : vector<2000x768xf32> to vector<2000x128xf32>
      %mul3A_71 = arith.mulf %slice3A_51, %slice3A_70 : vector<2000x128xf32>
      %add3A_72 = arith.addf %mul3A_69, %mul3A_71 : vector<2000x128xf32>
      %swap3A_73 = arith.constant 0 : index
      %swap3A_74 = arith.constant 256 : index
      %swap3A_75 = vector.load %arg11[%swap3A_73, %swap3A_74] : memref<2000x512xf32, #tpu.memory_space<vmem>>, vector<2000x128xf32>
      tpu.vector_store %arg11[%swap3A_73, %swap3A_74], %add3A_72 {strides = array<i32>} : memref<2000x512xf32, #tpu.memory_space<vmem>>, vector<2000x128xf32>,
      %get3A_76 = arith.constant 0 : index
      %get3A_77 = arith.constant 2 : index
      %get3A_78 = vector.load %arg7[%get3A_76, %get3A_77] : memref<2000x8xf32, #tpu.memory_space<vmem>>, vector<2000x1xf32>
      %mul3A_79 = vector.broadcast %get3A_78 : vector<2000x1xf32> to vector<2000x128xf32>
      %mul3A_80 = arith.mulf %slice3A_50, %mul3A_79 : vector<2000x128xf32>
      %slice3A_81 = vector.extract_strided_slice %concatenate3A {offsets = [0, 640], sizes = [2000, 128], strides = [1, 1]} : vector<2000x768xf32> to vector<2000x128xf32>
      %mul3A_82 = arith.mulf %slice3A_51, %slice3A_81 : vector<2000x128xf32>
      %add3A_83 = arith.addf %mul3A_80, %mul3A_82 : vector<2000x128xf32>
      %swap3A_84 = arith.constant 0 : index
      %swap3A_85 = arith.constant 384 : index
      %swap3A_86 = vector.load %arg11[%swap3A_84, %swap3A_85] : memref<2000x512xf32, #tpu.memory_space<vmem>>, vector<2000x128xf32>
      tpu.vector_store %arg11[%swap3A_84, %swap3A_85], %add3A_83 {strides = array<i32>} : memref<2000x512xf32, #tpu.memory_space<vmem>>, vector<2000x128xf32>,
    } else {
    }
    %get3A_10 = arith.constant 0 : index
    %get3A_11 = arith.constant 0 : index
    %get3A_12 = arith.constant 0 : index
    %get3A_13 = vector.load %arg9[%get3A_10, %get3A_11, %get3A_12] : memref<1x1x2000xi32, #tpu.memory_space<vmem>>, vector<1x1x2000xi32>
    %get3A_14 = vector.shape_cast %get3A_13 : vector<1x1x2000xi32> to vector<1x2000xi32>
    %mul3A = arith.constant 256 : i32
    %mul3A_15 = arith.muli %get3A_0, %mul3A : i32
    %sub3A = vector.broadcast %mul3A_15 : i32 to vector<1x2000xi32>
    %sub3A_16 = arith.subi %get3A_14, %sub3A : vector<1x2000xi32>
    %iota3A = tpu.iota {dimensions = array<i32: 0>} : vector<256x2000xi32>
    %eq3A_17 = vector.broadcast %sub3A_16 : vector<1x2000xi32> to vector<256x2000xi32>
    %eq3A_18 = arith.cmpi eq, %iota3A, %eq3A_17 : vector<256x2000xi32>
    %convert_element_type3A_19 = arith.extui %eq3A_18 : vector<256x2000xi1> to vector<256x2000xi32>
    %convert_element_type3A_20 = arith.sitofp %convert_element_type3A_19 : vector<256x2000xi32> to vector<256x2000xf32>
    %mul3A_21 = vector.broadcast %convert_element_type3A : f32 to vector<256x2000xf32>
    %mul3A_22 = arith.mulf %convert_element_type3A_20, %mul3A_21 : vector<256x2000xf32>
    %get3A_23 = arith.constant 0 : index
    %get3A_24 = arith.constant 0 : index
    %get3A_25 = vector.load %arg11[%get3A_23, %get3A_24] : memref<2000x512xf32, #tpu.memory_space<vmem>>, vector<2000x512xf32>
    %dot_general3A = arith.constant dense<0.000000e+00> : vector<256x512xf32>
    %dot_general3A_26 = tpu.matmul %mul3A_22, %get3A_25, %dot_general3A {dimension_numbers = #tpu.dot_dimension_numbers<[1], [0], [0], [1], [0, 0, 1, 1], [], []>, transpose_lhs_hint = false} : vector<256x2000xf32>, vector<2000x512xf32>, vector<256x512xf32> -> vector<256x512xf32>
    %eq3A_27 = arith.constant 1 : i32
    %eq3A_28 = arith.cmpi eq, %get3A_2, %eq3A_27 : i32
    %convert_element_type3A_29 = arith.extui %eq3A_28 : i1 to i32
    %cond3A_30 = arith.constant 0 : i32
    %cond3A_31 = arith.cmpi ne, %convert_element_type3A_29, %cond3A_30 : i32
    scf.if %cond3A_31 {
      %swap3A = arith.constant 0 : index
      %swap3A_37 = arith.constant 0 : index
      %swap3A_38 = vector.load %arg10[%swap3A, %swap3A_37] : memref<256x512xf32, #tpu.memory_space<vmem>>, vector<256x512xf32>
      tpu.vector_store %arg10[%swap3A, %swap3A_37], %dot_general3A_26 {strides = array<i32>} : memref<256x512xf32, #tpu.memory_space<vmem>>, vector<256x512xf32>,
    } else {
    }
    %eq3A_32 = arith.constant 0 : i32
    %eq3A_33 = arith.cmpi eq, %get3A_2, %eq3A_32 : i32
    %convert_element_type3A_34 = arith.extui %eq3A_33 : i1 to i32
    %cond3A_35 = arith.constant 0 : i32
    %cond3A_36 = arith.cmpi ne, %convert_element_type3A_34, %cond3A_35 : i32
    scf.if %cond3A_36 {
      %get3A_37 = arith.constant 0 : index
      %get3A_38 = arith.constant 0 : index
      %get3A_39 = vector.load %arg10[%get3A_37, %get3A_38] : memref<256x512xf32, #tpu.memory_space<vmem>>, vector<256x512xf32>
      %add3A = arith.addf %get3A_39, %dot_general3A_26 : vector<256x512xf32>
      %swap3A = arith.constant 0 : index
      %swap3A_40 = arith.constant 0 : index
      %swap3A_41 = vector.load %arg10[%swap3A, %swap3A_40] : memref<256x512xf32, #tpu.memory_space<vmem>>, vector<256x512xf32>
      tpu.vector_store %arg10[%swap3A, %swap3A_40], %add3A {strides = array<i32>} : memref<256x512xf32, #tpu.memory_space<vmem>>, vector<256x512xf32>,
    } else {
    }
    return
  }
  func.func @transform_0(%arg0: i32, %arg1: memref<128xi32, #tpu.memory_space<smem>>, %arg2: memref<128xi32, #tpu.memory_space<smem>>, %arg3: memref<128xi32, #tpu.memory_space<smem>>, %arg4: memref<128xi32, #tpu.memory_space<smem>>, %arg5: memref<128xi32, #tpu.memory_space<smem>>) -> (i32, i32) {
    %get3A = arith.index_cast %arg0 : i32 to index
    %get3A_0 = memref.load %arg1[%get3A] : memref<128xi32, #tpu.memory_space<smem>>
    %c0_i32 = arith.constant 0 : i32
    %c0_i32_1 = arith.constant 0 : i32
    return %get3A_0, %c0_i32 : i32, i32
  }
  func.func @transform_1(%arg0: i32, %arg1: memref<128xi32, #tpu.memory_space<smem>>, %arg2: memref<128xi32, #tpu.memory_space<smem>>, %arg3: memref<128xi32, #tpu.memory_space<smem>>, %arg4: memref<128xi32, #tpu.memory_space<smem>>, %arg5: memref<128xi32, #tpu.memory_space<smem>>) -> (i32, i32) {
    %get3A = arith.index_cast %arg0 : i32 to index
    %get3A_0 = memref.load %arg1[%get3A] : memref<128xi32, #tpu.memory_space<smem>>
    %c0_i32 = arith.constant 0 : i32
    %c0_i32_1 = arith.constant 0 : i32
    return %get3A_0, %c0_i32 : i32, i32
  }
  func.func @transform_2(%arg0: i32, %arg1: memref<128xi32, #tpu.memory_space<smem>>, %arg2: memref<128xi32, #tpu.memory_space<smem>>, %arg3: memref<128xi32, #tpu.memory_space<smem>>, %arg4: memref<128xi32, #tpu.memory_space<smem>>, %arg5: memref<128xi32, #tpu.memory_space<smem>>) -> (i32, i32) {
    %get3A = arith.index_cast %arg0 : i32 to index
    %get3A_0 = memref.load %arg1[%get3A] : memref<128xi32, #tpu.memory_space<smem>>
    %c2_i32 = arith.constant 2 : i32
    %c0_i32 = arith.constant 0 : i32
    return %get3A_0, %c2_i32 : i32, i32
  }
  func.func @transform_3(%arg0: i32, %arg1: memref<128xi32, #tpu.memory_space<smem>>, %arg2: memref<128xi32, #tpu.memory_space<smem>>, %arg3: memref<128xi32, #tpu.memory_space<smem>>, %arg4: memref<128xi32, #tpu.memory_space<smem>>, %arg5: memref<128xi32, #tpu.memory_space<smem>>) -> (i32, i32, i32) {
    %get3A = arith.index_cast %arg0 : i32 to index
    %get3A_0 = memref.load %arg1[%get3A] : memref<128xi32, #tpu.memory_space<smem>>
    %c0_i32 = arith.constant 0 : i32
    %c0_i32_1 = arith.constant 0 : i32
    %c0_i32_2 = arith.constant 0 : i32
    return %get3A_0, %c0_i32, %c0_i32_1 : i32, i32, i32
  }
  func.func @transform_4(%arg0: i32, %arg1: memref<128xi32, #tpu.memory_space<smem>>, %arg2: memref<128xi32, #tpu.memory_space<smem>>, %arg3: memref<128xi32, #tpu.memory_space<smem>>, %arg4: memref<128xi32, #tpu.memory_space<smem>>, %arg5: memref<128xi32, #tpu.memory_space<smem>>) -> (i32, i32) {
    %get3A = arith.index_cast %arg0 : i32 to index
    %get3A_0 = memref.load %arg2[%get3A] : memref<128xi32, #tpu.memory_space<smem>>
    %c0_i32 = arith.constant 0 : i32
    %c0_i32_1 = arith.constant 0 : i32
    return %get3A_0, %c0_i32 : i32, i32
  }
}

</mosaic_0001>

<sc_bundles>
// kernel: scatter_offload_async_start.1
scs
__scs_entry_jumppad:
0x0: {  	(pc) =	sbr.rel $0x88, $3  }
0x1: {  	(tag) =	ssettag $0x0;
	lr =	simm.s32 $0x1  }
0x2: {  	[smem:$0x3F8A] =	sst lr;
	_ =	strace $0xD0000000  }
0x3: {  	_ = 	snop  }
0x4: {  	_ = 	snop  }
0x5: {  	_ = 	snop  }
0x6: {  	_ = 	snop  }
0x7: {  	_ = 	snop  }
__scs_overlays_trampoline_lowered:
0x8: {  	[smem:$0x3F99] =	sst s0  }
0x9: {  	[smem:$0x3F9A] =	sst s1  }
0xa: {  	[smem:$0x3F9B] =	sst s2  }
0xb: {  	[smem:$0x3F9C] =	sst s3  }
0xc: {  	[smem:$0x3F9D] =	sst s4  }
0xd: {  	[smem:$0x3F9E] =	sst s5  }
0xe: {  	[smem:$0x3F9F] =	sst s6  }
0xf: {  	[smem:$0x3FA0] =	sst s7  }
0x10: {  	[smem:$0x3FA1] =	sst s8  }
0x11: {  	[smem:$0x3FA2] =	sst s9;
	s0 =	simm.s32 @!p0 $0x0  }
0x12: {  	s1 =	sld [smem:$0x3F88];
	s0 =	simm.s32 @p0 $0x1  }
0x13: {  	[smem:$0x3FA3] =	sst s0;
	s0 =	simm.s32 @!p1 $0x0  }
0x14: {  	s2 =	sld [smem:$0x3F87];
	s0 =	simm.s32 @p1 $0x1  }
0x15: {  	[smem:$0x3FA4] =	sst s0;
	s0 =	simm.s32 @!p2 $0x0  }
0x16: {  	s3 =	sld [smem:$0x3FDB];
	s0 =	simm.s32 @p2 $0x1  }
0x17: {  	s4 =	simm.s32 $0x1BF5;
	[smem:$0x3FA6] =	sst s0  }
0x18: {  	s0 =	sld [smem:$0x3F89];
	_ =	swait.ge [sflag:s4], $0x0  }
0x19: {  	s7 =	sld [smem:$0x3F8A]  }
0x1a: {  	s8 =	sadd.s32 $0xFFFFE003, lr  }
0x1b: {  	s9 =	sadd.s32 $0xFFFFFEF7, lr;
	s5 =	simm.s32 $0xFFFFFFFF;
	p2 =	slt.u32 s8, $0xFFFFF086  }
0x1c: {  	p1 =	slt.u32 s9, $0xF7A;
	s5 =	simm.s32 @!p2 $0x0  }
0x1d: {  	s5 =	simm.s32 @p1 $0x1;
	p0 =	seq.s32 s7, s2  }
0x1e: {  	s7 =	smul.u32 @!p0 $0xF7A, s2;
	p2 =	seq.s32 @!p0 s5, $0x0  }
0x1f: {  	s9 =	smul.u32 $0xF7A, s1;
	s8 =	simm.s32 @!p0 $0x1BF5;
	p2 =	por !p2, p0  }
0x20: {  	[sflag:s8] =	ssyncset.s32 @!p0 $0xFFFFF086;
	s6 =	sadd.s32 @!p0 s3, s7;
	s7 =	simm.s32 @!p0 $0x108  }
0x21: {  	s3 =	sadd.s32 s3, s9;
	s6 =	sadd.s32 @!p0 $0x88, s6;
	s7 =	simm.s32 @p2 $0x1082  }
0x22: {  	[simem:s7], [sflag:s8] =	dma.local @!p0 [hbm:s6], $0xF7A  }
0x23: {  	s9 =	sor.u32 $0xD0000000, s2;
	s6 =	simm.s32 $0x108;
	_ =	swait.ge @!p0 [sflag:s8], $0x0  }
0x24: {  	s3 =	sadd.s32 $0x88, s3;
	s6 =	simm.s32 @!p1 $0x1082;
	[sflag:s4] =	ssyncset.s32 $0xFFFFF086  }
0x25: {  	[simem:s6], [sflag:s4] =	dma.local [hbm:s3], $0xF7A  }
0x26: {  	[smem:$0x3F8A] =	sst s1;
	(tag) =	ssettag s2;
	_ =	strace s9  }
0x27: {  	s1 =	sld [smem:$0x3F9A]  }
0x28: {  	s2 =	sld [smem:$0x3F9B]  }
0x29: {  	s4 =	sld [smem:$0x3F9D]  }
0x2a: {  	p0 =	seq.s32 s5, $0x0;
	s5 =	sld [smem:$0x3F9E]  }
0x2b: {  	s6 =	sld [smem:$0x3F9F]  }
0x2c: {  	s7 =	sld [smem:$0x3FA0]  }
0x2d: {  	s3 =	simm.s32 $0x108;
	s8 =	sld [smem:$0x3FA1]  }
0x2e: {  	s3 =	simm.s32 @!p0 $0x1082;
	s9 =	sld [smem:$0x3FA2]  }
0x2f: {  	lr =	sadd.s32 s0, s3;
	s0 =	sld [smem:$0x3F99]  }
0x30: {  	s3 =	sld [smem:$0x3F9C]  }
0x31: {  	[smem:$0x3FA5] =	sst s10  }
0x32: {  	s10 =	sld [smem:$0x3FA3];
	_ =	sdelay $0x3  }
0x33: {  	p0 =	seq.s32 s10, $0x1;
	s10 =	sld [smem:$0x3FA5];
	_ =	sdelay $0x3  }
0x34: {  	[smem:$0x3FA5] =	sst s10  }
0x35: {  	s10 =	sld [smem:$0x3FA4];
	_ =	sdelay $0x3  }
0x36: {  	p1 =	seq.s32 s10, $0x1;
	s10 =	sld [smem:$0x3FA5];
	_ =	sdelay $0x3  }
0x37: {  	[smem:$0x3FA5] =	sst s10  }
0x38: {  	s10 =	sld [smem:$0x3FA6]  }
0x39: {  	_ = 	snop;
	(pc) =	sbr.ind lr, $3  }
0x3a: {  	_ = 	snop  }
0x3b: {  	_ = 	snop  }
0x3c: {  	p2 =	seq.s32 s10, $0x1;
	s10 =	sld [smem:$0x3FA5]  }
0x3d: {  	_ =	shalt  }
0x3e: {  	_ =	shalt  }
0x3f: {  	_ =	shalt  }
0x40: {  	_ =	shalt  }
0x41: {  	_ =	shalt  }
0x42: {  	_ =	shalt  }
0x43: {  	_ =	shalt  }
0x44: {  	_ =	shalt  }
0x45: {  	_ =	shalt  }
0x46: {  	_ =	shalt  }
0x47: {  	_ =	shalt  }
0x48: {  	_ =	shalt  }
0x49: {  	_ =	shalt  }
0x4a: {  	_ =	shalt  }
0x4b: {  	_ =	shalt  }
0x4c: {  	_ =	shalt  }
0x4d: {  	_ =	shalt  }
0x4e: {  	_ =	shalt  }
0x4f: {  	_ =	shalt  }
0x50: {  	_ =	shalt  }
0x51: {  	_ =	shalt  }
0x52: {  	_ =	shalt  }
0x53: {  	_ =	shalt  }
0x54: {  	_ =	shalt  }
0x55: {  	_ =	shalt  }
0x56: {  	_ =	shalt  }
0x57: {  	_ =	shalt  }
0x58: {  	_ =	shalt  }
0x59: {  	_ =	shalt  }
0x5a: {  	_ =	shalt  }
0x5b: {  	_ =	shalt  }
0x5c: {  	_ =	shalt  }
0x5d: {  	_ =	shalt  }
0x5e: {  	_ =	shalt  }
0x5f: {  	_ =	shalt  }
0x60: {  	_ =	shalt  }
0x61: {  	_ =	shalt  }
0x62: {  	_ =	shalt  }
0x63: {  	_ =	shalt  }
0x64: {  	_ =	shalt  }
0x65: {  	_ =	shalt  }
0x66: {  	_ =	shalt  }
0x67: {  	_ =	shalt  }
0x68: {  	_ =	shalt  }
0x69: {  	_ =	shalt  }
0x6a: {  	_ =	shalt  }
0x6b: {  	_ =	shalt  }
0x6c: {  	_ =	shalt  }
0x6d: {  	_ =	shalt  }
0x6e: {  	_ =	shalt  }
0x6f: {  	_ =	shalt  }
0x70: {  	_ =	shalt  }
0x71: {  	_ =	shalt  }
0x72: {  	_ =	shalt  }
0x73: {  	_ =	shalt  }
0x74: {  	_ =	shalt  }
0x75: {  	_ =	shalt  }
0x76: {  	_ =	shalt  }
0x77: {  	_ =	shalt  }
0x78: {  	_ =	shalt  }
0x79: {  	_ =	shalt  }
0x7a: {  	_ =	shalt  }
0x7b: {  	_ =	shalt  }
0x7c: {  	_ =	shalt  }
0x7d: {  	_ =	shalt  }
0x7e: {  	_ =	shalt  }
0x7f: {  	_ =	shalt  }
0x80: {  	_ =	shalt  }
0x81: {  	_ =	shalt  }
0x82: {  	_ =	shalt  }
0x83: {  	_ =	shalt  }
0x84: {  	_ =	shalt  }
0x85: {  	_ =	shalt  }
0x86: {  	_ =	shalt  }
0x87: {  	_ =	shalt  }
.Lfunc_end0:
.L_simem_size_0:
called_computation.1_lowered:
.L_overlay_start_0:
0x88: {  	s0 =	sld [smem:$0x3FD9]  }
0x89: {  	s1 =	sld [smem:$0x3FFE];
	_ =	sdelay $0x3  }
0x8a: {  	s0 =	sadd.s32 s1, s0  }
0x8b: {  	[smem:$0x3FB1] =	sst s0  }
0x8c: {  	_ = 	snop  }
0x8d: {  	s0 =	sld [smem:$0x3FD0];
	_ =	sdelay $0x2  }
0x8e: {  	s13 =	simm.s32 $0xA;
	s2 =	simm.s32 $0x10  }
0x8f: {  	[smem:s2], [sflag:s13] =	dma.local [hbm:s0], $0x1  }
0x90: {  	_ =	swait.eq [sflag:s13], $0x1  }
0x91: {  	[sflag:s13] =	ssyncset.done $0x0  }
0x92: {  	[sflag:s13] =	ssyncadd.s32 $0xFFFFFFFF  }
0x93: {  	s14 =	sld [smem:$0x10];
	(tm) =	ssettm $0x1  }
0x94: {  	s15 =	sld [smem:$0x3FFB];
	_ =	sdelay $0x3  }
0x95: {  	_ =	strace s15  }
0x96: {  	s1 =	sld [smem:$0x3FFC];
	_ =	sdelay $0x3  }
0x97: {  	_ =	strace s1  }
0x98: {  	s1 =	sld [smem:$0x3FFD];
	_ =	sdelay $0x3  }
0x99: {  	_ =	strace s1  }
0x9a: {  	_ =	strace $0x8FFFFFFF  }
0x9b: {  	s16 =	sld [smem:$0x3FDB];
	_ =	sdelay $0x1  }
0x9c: {  	s17 =	simm.s32 $_scs_section_size  }
0x9d: {  	s3 =	simm.s32 $_size__tile_overlayer_lowered;
	s4 =	simm.s32 $_tile_overlayer_lowered  }
0x9e: {  	s20 =	simm.s32 $0x1BFF;
	s19 =	sshll.u32 s4, $0x1;
	s1 =	sadd.s32 s17, s16  }
0x9f: {  	s5 =	simm.s32 $0x0;
	s18 =	sshll.u32 s3, $0x1;
	s3 =	sadd.s32 s19, s1  }
0xa0: {  	[timem:s5], [sflag:s20] =	dma.local [hbm:s3], s18  }
0xa1: {  	_ =	swait.ge [sflag:s20], s18  }
0xa2: {  	s2 =	ssub.s32 $0x0, s18;
	[sflag:s20] =	ssyncset.done $0x0  }
0xa3: {  	[sflag:s20] =	ssyncadd.s32 s2;
	_ =	sdelay $0x1  }
0xa4: {  	s21 =	simm.s32 $0x1B8B  }
0xa5: {  	_ =	swait.ge [sflag:s21], $0x1  }
0xa6: {  	[sflag:s21] =	ssyncset.done $0x0  }
0xa7: {  	s23 =	simm.s32 $0x1B8E;
	s22 =	sld [smem:$0x3FFE];
	[sflag:s21] =	ssyncadd.s32 $0xFFFFFFFF  }
0xa8: {  	s24 =	simm.s32 $execute0_lowered;
	[smem:$0x3FD2] =	sst s23  }
0xa9: {  	s3 =	sshll.u32 s24, $0x1;
	_ =	strace $0x80000049;
	[dreg:$0x1] =	wrdreg $0xFFFFFFFF  }
0xaa: {  	s25 =	simm.s32 $_size_execute0_lowered;
	s1 =	sadd.s32 s1, s3;
	[dreg:$0x0] =	wrdreg $0x0  }
0xab: {  	s3 =	sshll.u32 s25, $0x1;
	[dreg:$0x2] =	wrdreg s1  }
0xac: {  	[dreg:$0x3] =	wrdreg s3  }
0xad: {  	[dreg:$0x4] =	wrdreg $0xC0  }
0xae: {  	_ =	task [dreg:s5], $0x5FFFF  }
0xaf: {  	[dreg:$0x1] =	wrdreg $0xFFFFFFFF  }
0xb0: {  	[dreg:$0x0] =	wrdreg $0x60  }
0xb1: {  	[dreg:$0x2] =	wrdreg s14  }
0xb2: {  	[dreg:$0x3] =	wrdreg s22  }
0xb3: {  	[dreg:$0x4] =	wrdreg $0x9  }
0xb4: {  	_ =	task.clear_ibuf [dreg:s5], $0x5FFFF;
	_ =	strace $0x90000049  }
0xb5: {  	s26 =	simm.s32 $0x9;
	_ =	strace $0x8000004B  }
0xb6: {  	_ =	swait.ge [sflag:s26], $0x1  }
0xb7: {  	[sflag:s26] =	ssyncadd.s32 $0xFFFFFFFF  }
0xb8: {  	_ =	strace $0x9000004B  }
0xb9: {  	_ =	sfence  }
0xba: {  	s28 =	sld [smem:$0x0];
	_ =	sdelay $0x1  }
0xbb: {  	s29 =	srdreg.scid  }
0xbc: {  	s30 =	sshll.u32 s29, $0xD;
	s31 =	sshrl.u32 s29, $0x2  }
0xbd: {  	s2 =	sand.u32 $0x4000, s30;
	s1 =	sand.u32 $0x1, s29;
	s0 =	sadd.s32 s31, s28  }
0xbe: {  	s1 =	sor.u32 s2, s1;
	s0 =	sshll.u32 s0, $0x11  }
0xbf: {  	s0 =	sor.u32 s0, s1  }
0xc0: {  	s0 =	sadd.s32 $0x8F2B, s0  }
0xc1: {  	[sflag:s0] =	ssyncadd.remote.s32 $0x1  }
0xc2: {  	_ =	sfence.sel $0xFFFF  }
0xc3: {  	[dreg:$0x0] =	wrdreg $0xFFFFFFFF;
	(pc) =	sbr.abs _section_cstart, $3  }
0xc4: {  	[dreg:$0x1] =	wrdreg $0xFFFFFFFF  }
0xc5: {  	_ =	task.clear_ibuf [dreg:s5], $0x2FFFF;
	_ =	strace $0x9FFFFFFF  }
0xc6: {  	(tm) =	ssettm $0x7FFFFFFF  }
0xc7: {  	_ =	shalt  }
tec
execute0_lowered:
.L_overlay_start_1:
0x0: {  	(tag) =	ssettag $0x1  }
0x1: {  	s1 =	rddreg [dreg:$0x0];
	s6 =	stileid.u32  }
0x2: {  	s0 =	rddreg [dreg:$0x1];
	_ =	strace $0x8000004A;
	s2 =	smin.u32 s6, $0x9  }
0x3: {  	s9 =	simm.s32 $0x1;
	p0 =	slt.u32 s6, $0x9;
	s2 =	sadd.s32 s6, s2  }
0x4: {  	v1 =	vimm.s32 $0xFFFFFFFF;
	[sflag:s9] =	ssyncpa.u1 $0x0;
	s3 =	smul.u32 $0x190, s2;
	s2 =	simm.s32 $0x320  }
0x5: {  	[tilespmem:$0x10] =	vst v1;
	s2 =	simm.s32 @!p0 $0x190  }
0x6: {  	v0 =	vimm.f32 $0.0e+00;
	[tilespmem:$0x20] =	vst v1;
	s2 =	sadd.s32 s2, s3  }
0x7: {  	[tilespmem:$0x30] =	vst v0;
	s4 =	smin.u32 s2, $0x2710  }
0x8: {  	[tilespmem:$0x40] =	vst v0;
	s2 =	ssub.s32 s4, s3  }
0x9: {  	[tilespmem:$0x50] =	vst v0;
	p0 =	sgt.s32 s2, $0x0  }
0xa: {  	[tilespmem:$0x60] =	vst v1;
	s2 =	simm.s32 @!p0 $0x0  }
0xb: {  	s7 =	simm.s32 $0x2;
	s8 =	simm.s32 $0x8;
	[tilespmem:$0x70] =	vst v1;
	s5 =	sand.u32 $0xFFF0, s2  }
0xc: {  	s31 =	simm.s32 $0x9;
	s16 =	simm.s32 $0x0;
	[tilespmem:$0x80] =	vst v1;
	s5 =	sshrl.u32 s5, $0x4  }
0xd: {  	s17 =	simm.s32 $0xF0;
	s18 =	simm.s32 $0xFFFFFFFF;
	v1 =	vimm.s32 $0x0;
	[tilespmem:$0xB0] =	vst v0;
	s5 =	smul.u32 $0xA3E, s5  }
0xe: {  	s19 =	simm.s32 $0xFFFFFDE0;
	s20 =	simm.s32 $0xFFFFFFFE;
	s21 =	simm.s32 $0xF;
	[tilespmem:$0x90] =	vst v1  }
0xf: {  	[tilespmem:$0xA0] =	vst v1;
	[sflag:s7] =	ssyncpa.u1 $0x0;
	s7 =	simm.s32 $0x7;
	s10 =	sshrl.u32 s5, $0x10  }
0x10: {  	s25 =	simm.s32 $0x0;
	[sflag:s7] =	ssyncpa.u1 $0x0;
	s11 =	smul.u32 $0x190, s10  }
0x11: {  	s24 =	simm.s32 $0x0;
	s14 =	sshllo.u32 s6, $0x1;
	[sflag:s8] =	ssyncpa.u1 $0x0  }
.Ltmp0:
0x12: {  	s23 =	smov.u32 s3;
	p0 =	sne.s32 s2, s11;
	(pc) =	sbr.rel .LBB2_1-.Ltmp0, $4  }
0x13: {  	s5 =	sadd.s32 $0x8600, s0;
	s0 =	sadd.s32 $0x6E00, s0;
	s9 =	simm.s32 @!p0 $0x0  }
0x14: {  	[sflag:s31] =	ssyncpa.u1 $0x0;
	[dreg:$0x3] =	wrdreg s0;
	s9 =	sadd.s32 s10, s9  }
0x15: {  	vm0 =	vmmov $0xffff;
	v2 =	vlaneseq.u32;
	p0 =	por $0x0, $0x0;
	s10 =	sshll.u32 s6, $0x1;
	s11 =	sadd.s32 $0x1, s9  }
0x16: {  	vm1 =	vmxor vm1, vm1;
	vm2 =	vmmov $0x1;
	vm3 =	vcmask $0x3F3C;
	s12 =	sadd.s32 $0x2, s9;
	s13 =	sor.u32 $0x81, s10;
	s15 =	sor.u32 $0x80, s10  }
.LBB2_9:
0x17: {  	p1 =	slt.u32 s24, $0x3  }
0x18: {  	s0 =	simm.s32 @!p1 $0x2  }
0x19: {  	_ =	swait.ge @!p1 [sflag:s0], $0x190  }
0x1a: {  	[sflag:s0] =	ssyncset.done @!p1 $0x0  }
0x1b: {  	[sflag:s0] =	ssyncadd.s32 @!p1 $0xFFFFFE70;
	s0 =	simm.s32 @!p1 $0x9  }
0x1c: {  	_ =	swait.ge @!p1 [sflag:s0], $0x10  }
0x1d: {  	[sflag:s0] =	ssyncset.done @!p1 $0x0  }
0x1e: {  	[sflag:s0] =	ssyncadd.s32 @!p1 $0xFFFFFFF0;
	p1 =	sne.s32 s24, s12  }
.Ltmp1:
0x1f: {  	s2 =	sadd.s32 $0x190, s23;
	(pc) =	sbr.rel @!p1 .LBB2_10-.Ltmp1, $4  }
0x20: {  	s6 =	smov.u32 s3;
	s31 =	sadd.s32 $0x1, s24;
	s17 =	sadd.s32 $0x190, s17  }
0x21: {  	s18 =	sadd.s32 $0x1, s18;
	s25 =	smov.u32 s23;
	p2 =	slt.s32 s2, s4  }
0x22: {  	p0 =	por !p0, !p0;
	s19 =	sadd.s32 $0x190, s19;
	s6 =	smov.u32 @p2 s2  }
0x23: {  	s20 =	sadd.s32 $0x1, s20;
	s23 =	smov.u32 s6;
	s24 =	smov.u32 s31  }
.LBB2_1:
0x24: {  	p1 =	sge.u32 s24, s9  }
0x25: {  	s0 =	smulhi.u32 @!p1 $0xAAAAAAAB, s24;
	_ =	sdelay $0x1  }
0x26: {  	s0 =	sshrl.u32 @!p1 s0, $0x1  }
0x27: {  	s0 =	smul.u32 @!p1 $0x3, s0;
	_ =	sdelay $0x1  }
0x28: {  	s0 =	ssub.s32 @!p1 s24, s0  }
0x29: {  	s0 =	smul.u32 @!p1 $0x640, s0;
	_ =	sdelay $0x1  }
0x2a: {  	s2 =	sshrl.u32 @!p1 s23, $0x3;
	s0 =	sshrl.u32 @!p1 s0, $0x2  }
0x2b: {  	s22 =	sand.u32 @!p1 $0x7, s23;
	s2 =	sadd.s32 @!p1 s5, s2;
	s0 =	sadd.s32 @!p1 $0x100, s0  }
0x2c: {  	[tilespmem:s0], [sflag:$0x7] =	stream.linear.gather @!p1 [hbm4b:s2+s22], $0x190, $0x38;
	[tilespmem:$0xF30] =	vst v63  }
0x2d: {  	s0 =	sadd.s32 $0xFFFFFFFF, s24  }
0x2e: {  	p1 =	sge.u32 s0, s9  }
.Ltmp2:
0x2f: {  	_ = 	snop;
	(pc) =	sbr.rel @p1 .LBB2_5-.Ltmp2, $1  }
0x30: {  	_ =	sdelay $0x3  }
0x31: {  	s2 =	smulhi.u32 $0xAAAAAAAB, s0;
	_ =	sdelay $0x1  }
0x32: {  	s2 =	sshrl.u32 s2, $0x1  }
0x33: {  	s2 =	smul.u32 $0x3, s2;
	_ =	sdelay $0x1  }
0x34: {  	s2 =	ssub.s32 s0, s2  }
0x35: {  	s2 =	smul.u32 $0x640, s2  }
0x36: {  	_ =	swait.ge [sflag:s7], $0x190  }
0x37: {  	[sflag:s7] =	ssyncset.done $0x0;
	s2 =	sshrl.u32 s2, $0x2  }
0x38: {  	[sflag:s7] =	ssyncadd.s32 $0xFFFFFE70;
	(ifvalue) =	ssetifvalue $0xFFFFFFFF;
	v3 =	vld.msk [tilespmem:s2+$0x100 ss:$0x1], $0xffff;
	_ =	sdelay $0x2  }
0x39: {  	s30 =	smulhi.u32 $0xAAAAAAAB, s18;
	p1 =	sne.s32 s24, $0x1  }
0x3a: {  	v4 =	vimm.s32 @!p1 $0x0  }
0x3b: {  	s2 =	sshrl.u32 s30, $0x1;
	v4 =	vperm.xlane @!p1 v3, v4  }
0x3c: {  	s22 =	sshll.u32 s24, $0x4;
	s2 =	smul.u32 $0xFFFFED40, s2;
	vm4 =	vlt.u32 v3, $0x80  }
0x3d: {  	s22 =	sand.u32 $0x10, s22;
	v3 =	vnsel vm4, $0xFFFFFFFE, v3;
	vm4 =	vlt.u32 @!p1 v4, $0x80  }
0x3e: {  	s2 =	sshra.s32 s2, $0x2;
	[tilespmem:s22+$0x60] =	vst v3;
	v3 =	vnsel @!p1 vm4, $0xFFFFFFFE, v4  }
0x3f: {  	s28 =	sadd.s32 s2, s17;
	[tilespmem:$0x80] =	vst @!p1 v3  }
0x40: {  	v3 =	vld.msk [tilespmem:s28+$0x0 ss:$0x1], $0xffff;
	_ =	sdelay $0x4  }
0x41: {  	(xrf1) =	vunique.msk.u32 $0xffff, v3;
	_ =	sdelay $0xd  }
0x42: {  	v4 =	vimm.s32 $0xFFFFFFFF;
	v5, _, _ =	vpop (xrf1)  }
0x43: {  	vm5 =	vne.s32 v3, v4;
	vm4 =	veq.s32 v5, v2  }
0x44: {  	vm6 =	vlt.u32 v3, $0x80;
	vm4 =	vmand vm5, vm4  }
0x45: {  	vm4 =	vmand vm6, vm4  }
0x46: {  	v4 =	vnsel vm4, $0xFFFFFFFF, v3  }
0x47: {  	s31 =	sand.u32 $0x1, s0  }
0x48: {  	s0 =	simm.s32 $0x190;
	p1 =	seq.s32 s31, $0x1  }
0x49: {  	s0 =	simm.s32 @!p1 $0x0  }
0x4a: {  	s26 =	sadd.s32 $0x730, s0;
	(ifvalue) =	ssetifvalue $0xFFFFFFFF  }
0x4b: {  	v3 =	vperm.xlane v3, v1;
	[tilespmem:s26], [sflag:$0x8] =	stream.indirect_vreg.gather [hbm4b:s1+s16], $0x1, v4, vm0, $0x4038;
	v4 =	vnsel vm6, $0xFFFFFFFE, v4;
	[tilespmem:$0xF30] =	vst v63  }
0x4c: {  	s2 =	simm.s32 $0x0;
	s22 =	sadd.s32 $0xFFFFFFF0, s28;
	[tilespmem:s28+$0x0] =	vst v4  }
.LBB2_3:
0x4d: {  	v4 =	vld.msk [tilespmem:s22+$0x0 ss:$0x1], $0xffff;
	s2 =	sadd.s32 $0x10, s2;
	v5 =	vmov v3;
	s28 =	smov.u32 s22  }
0x4e: {  	p1 =	slt.u32 s2, $0x180;
	_ =	sdelay $0x4  }
0x4f: {  	v3 =	vperm.xlane v4, v1;
	(xrf1) =	vunique.msk.u32 $0xffff, v4;
	_ =	sdelay $0xd  }
0x50: {  	v6, _, _ =	vpop (xrf1)  }
0x51: {  	vm5 =	vne.s32 v4, v5;
	vm4 =	veq.s32 v6, v2  }
0x52: {  	vm6 =	vlt.u32 v4, $0x80;
	vm4 =	vmand vm5, vm4  }
0x53: {  	vm4 =	vmand vm6, vm4  }
0x54: {  	v4 =	vnsel vm4, $0xFFFFFFFF, v4  }
.Ltmp3:
0x55: {  	v5 =	vnsel vm6, $0xFFFFFFFE, v4;
	(pc) =	sbr.rel @p1 .LBB2_3-.Ltmp3, $3  }
0x56: {  	_ =	sdelay $0x1  }
0x57: {  	s22 =	sadd.s32 $0xFFFFFFF0, s22;
	s26 =	sadd.s32 $0xFFFFFFF0, s26;
	(ifvalue) =	ssetifvalue $0xFFFFFFFF  }
0x58: {  	[tilespmem:s26], [sflag:$0x8] =	stream.indirect_vreg.gather [hbm4b:s1+s16], $0x1, v4, vm0, $0x4038;
	[tilespmem:s28+$0x0] =	vst v5  }
0x59: {  	s2 =	sshrl.u32 s25, $0x3;
	s6 =	rddreg [dreg:$0x3]  }
0x5a: {  	s0 =	sadd.s32 $0x8D0, s0;
	s2 =	sadd.s32 s6, s2  }
0x5b: {  	[tilespmem:s0], [sflag:$0x8] =	stream.linear.gather [hbm:s2], $0x190, $0x38;
	[tilespmem:$0xF30] =	vst v63  }
.LBB2_5:
0x5c: {  	p1 =	slt.u32 s24, $0x2  }
0x5d: {  	p2 =	sge.u32 @!p1 s24, s12  }
0x5e: {  	p1 =	por p1, p2  }
.Ltmp4:
0x5f: {  	_ = 	snop;
	(pc) =	sbr.rel @p1 .LBB2_9-.Ltmp4, $1  }
0x60: {  	_ =	sdelay $0x3  }
0x61: {  	s0 =	sadd.s32 $0xFFFFFFFE, s24  }
0x62: {  	s2 =	smulhi.u32 $0xAAAAAAAB, s0;
	_ =	sdelay $0x1  }
0x63: {  	s2 =	sshrl.u32 s2, $0x1  }
0x64: {  	s2 =	smul.u32 $0x3, s2;
	_ =	sdelay $0x1  }
0x65: {  	s0 =	ssub.s32 s0, s2  }
0x66: {  	_ =	swait.ge [sflag:s8], $0x320;
	s0 =	smul.u32 $0x190, s0  }
0x67: {  	p1 =	sne.s32 s24, s11;
	[sflag:s8] =	ssyncset.done $0x0  }
0x68: {  	[sflag:s8] =	ssyncadd.s32 $0xFFFFFCE0;
	s2 =	sadd.s32 @!p1 $0x28F, s0  }
0x69: {  	[spmem:s13] =	stream.linear.scatter @!p1 [tilespmem:s2], [sflag:$0x1], $0x1, $0x38;
	[tilespmem:$0xF30] =	vst v63  }
0x6a: {  	s2 =	simm.s32 @!p1 $0x1  }
0x6b: {  	_ =	swait.ge @!p1 [sflag:s2], $0x1  }
0x6c: {  	s22 =	sshll.u32 s24, $0x4;
	[sflag:s2] =	ssyncset.done @!p1 $0x0  }
0x6d: {  	s25 =	sand.u32 $0x10, s22;
	[sflag:s2] =	ssyncadd.s32 @!p1 $0xFFFFFFFF  }
0x6e: {  	s2 =	sxor.u32 $0x10, s25;
	v4 =	vld [tilespmem:s25+$0x10]  }
0x6f: {  	v5 =	vld [tilespmem:s2+$0x60]  }
0x70: {  	v3 =	vld [tilespmem:$0x80];
	_ =	sdelay $0x2  }
0x71: {  	(v2sf) =	vpush v4, $0x0  }
0x72: {  	(v2sf) =	vpush v5, $0x0  }
0x73: {  	(v2sf) =	vpush v3, $0x0;
	_ =	sdelay $0xc  }
0x74: {  	s6 =	spop (v2sf)  }
0x75: {  	s28 =	spop (v2sf)  }
0x76: {  	s26 =	spop (v2sf)  }
0x77: {  	p2 =	seq.s32 s6, s28;
	p3 =	seq.s32 s26, s6  }
0x78: {  	p3 =	por p2, p3  }
0x79: {  	s6 =	sand.u32 $0x1, s24;
	v4 =	vpsel p3, $0xFFFFFFFF, v4  }
0x7a: {  	s28 =	smul.u32 $0x190, s6;
	[tilespmem:s25+$0x10] =	vst.msk $0x1, v4  }
0x7b: {  	v4 =	vld [tilespmem:$0x30]  }
0x7c: {  	v5 =	vld [tilespmem:s28+$0x8D0]  }
0x7d: {  	v6 =	vld [tilespmem:s25+$0x40];
	_ =	sdelay $0x3  }
0x7e: {  	vm4 =	vmmov vm1;
	v5 =	vadd.f32 v5, v4  }
0x7f: {  	vm5 =	vmmov vm2;
	vm4 =	vmmov @p2 vm2;
	v4 =	vadd.f32 v6, v4  }
0x80: {  	s22 =	sshll.u32 s6, $0x4;
	vm5 =	vmmov @p3 vm1;
	[tilespmem:s28+$0x8D0] =	vst.msk vm4, v5  }
0x81: {  	[tilespmem:s22+$0xF10] =	vst.msk vm5, v4  }
0x82: {  	v4 =	vld [tilespmem:s28+$0x730];
	_ =	sdelay $0x3  }
0x83: {  	v5 =	vimm.f32 $0.0e+00  }
0x84: {  	v4 =	vshift.insert v4, v5, s21  }
0x85: {  	s29 =	sor.u32 $0x40, s2  }
0x86: {  	[tilespmem:s29+$0x0] =	vst.msk $0x1, v4  }
0x87: {  	[tilespmem:s28+$0x73F] =	vst.msk $0x1, v5  }
0x88: {  	v4 =	vld [tilespmem:s0+$0x280];
	_ =	sdelay $0x1  }
0x89: {  	s29 =	smulhi.u32 $0xAAAAAAAB, s20;
	s0 =	simm.s32 $0x1  }
0x8a: {  	s0 =	simm.s32 @!p0 $0x0  }
0x8b: {  	s29 =	sshrl.u32 s29, $0x1;
	s0 =	smul.u32 $0x640, s0  }
0x8c: {  	s29 =	smul.u32 $0xFFFFED40, s29;
	v4 =	vshift.insert v4, v1, s21  }
0x8d: {  	s0 =	sshrl.u32 s0, $0x2  }
0x8e: {  	s29 =	sshra.s32 s29, $0x2;
	s30 =	sadd.s32 $0x8D0, s0;
	[tilespmem:s2+$0x10] =	vst.msk $0x1, v4  }
0x8f: {  	s6 =	sadd.s32 s29, s19;
	v6 =	vld [tilespmem:s30+$0x0]  }
0x90: {  	v7 =	vld [tilespmem:s6+$0x0];
	_ =	sdelay $0x3  }
0x91: {  	v5 =	vadd.f32 v6, v5  }
0x92: {  	vm4 =	vne.s32 v7, $0xFFFFFFFF  }
0x93: {  	(xrf2) =	vadd.seg.scan.f32 vm4, v5;
	_ =	sdelay $0x3  }
0x94: {  	s31 =	sadd.s32 $0x5B0, s0;
	v5 =	vperm.xlane v4, v1  }
0x95: {  	v6 =	vld [tilespmem:s31+$0x0]  }
0x96: {  	vm5 =	veq.s32 v7, v3;
	vm6 =	veq.s32 v7, v5  }
0x97: {  	vm7 =	vgt.u32 v7, $0xFFFFFFFD;
	vm6 =	vmor vm6, vm5  }
0x98: {  	vm6 =	vmor vm6, vm7  }
0x99: {  	v9 =	vld [tilespmem:$0xA0];
	v7 =	vsel vm6, $0xFFFFFFFF, v7  }
0x9a: {  	v10 =	vld [tilespmem:$0x90];
	v6 =	vsel vm5, $0x0, v6;
	v8, _, _ =	vpop (xrf2)  }
0x9b: {  	v6 =	vadd.f32 v8, v6  }
0x9c: {  	s0 =	sadd.s32 $0xBF0, s0  }
0x9d: {  	vm4 =	vmand vm4, vm3;
	[tilespmem:s0+$0x0] =	vst v6;
	(ifvalue) =	ssetifvalue $0xFFFFFFFF  }
0x9e: {  	vm6 =	veq.s32 v9, $0x1;
	[hbm4b:s1+s16] =	stream.indirect_vreg.scatter [tilespmem:s0], [sflag:$0x2], $0x1, v7, vm0, $0x4038;
	v7 =	vsel vm4, $0x0, v8;
	[tilespmem:$0xF30] =	vst v63  }
0x9f: {  	s29 =	sadd.s32 $0xF10, s22;
	s22 =	sadd.s32 $0x10, s6;
	s2 =	simm.s32 $0x0;
	vm4 =	vmor vm6, vm5;
	v6 =	vsel vm5, v8, v10;
	v7 =	vshift.insert v7, v0, s21  }
.LBB2_7:
0xa0: {  	v8 =	vld [tilespmem:s22+$0x0];
	s30 =	sadd.s32 $0x10, s30  }
0xa1: {  	s31 =	sadd.s32 $0x10, s31;
	v9 =	vld [tilespmem:s30+$0x0]  }
0xa2: {  	s2 =	sadd.s32 $0x10, s2;
	v10 =	vld [tilespmem:s31+$0x0]  }
0xa3: {  	p2 =	slt.u32 s2, $0x180;
	_ =	sdelay $0x2  }
0xa4: {  	v7 =	vadd.f32 v9, v7  }
0xa5: {  	vm5 =	vne.s32 v8, $0xFFFFFFFF  }
0xa6: {  	vm6 =	vmand vm5, vm3;
	(xrf2) =	vadd.seg.scan.f32 vm5, v7;
	_ =	sdelay $0x5  }
0xa7: {  	vm7 =	veq.s32 v8, v5;
	vm5 =	veq.s32 v8, v3  }
0xa8: {  	vm8 =	vgt.u32 v8, $0xFFFFFFFD;
	vm4 =	vmor vm4, vm5;
	vm7 =	vmor vm7, vm5  }
0xa9: {  	vm7 =	vmor vm7, vm8  }
0xaa: {  	v8 =	vsel vm7, $0xFFFFFFFF, v8  }
.Ltmp5:
0xab: {  	v7 =	vsel vm5, $0x0, v10;
	v9, _, _ =	vpop (xrf2);
	(pc) =	sbr.rel @p2 .LBB2_7-.Ltmp5, $4  }
0xac: {  	v6 =	vsel vm5, v9, v6;
	v10 =	vadd.f32 v9, v7;
	v7 =	vsel vm6, $0x0, v9  }
0xad: {  	s0 =	sadd.s32 $0x10, s0;
	v7 =	vshift.insert v7, v0, s21  }
0xae: {  	s22 =	sadd.s32 $0x10, s22;
	[tilespmem:s0+$0x0] =	vst v10;
	(ifvalue) =	ssetifvalue $0xFFFFFFFF  }
0xaf: {  	[hbm4b:s1+s16] =	stream.indirect_vreg.scatter [tilespmem:s0], [sflag:$0x2], $0x1, v8, vm0, $0x4038;
	[tilespmem:$0xF30] =	vst v63  }
0xb0: {  	v3 =	vld [tilespmem:s28+$0xD70];
	_ =	sdelay $0x4  }
0xb1: {  	v3 =	vshift.insert v3, v0, s21  }
0xb2: {  	s0 =	simm.s32 $0x30  }
0xb3: {  	[tilespmem:s0+$0x0] =	vst.msk $0x1, v3  }
0xb4: {  	v3 =	vsel vm4, $0x1, v1;
	[tilespmem:$0x90] =	vst v6  }
0xb5: {  	s0 =	sadd.s32 @!p1 $0xD7F, s28;
	[tilespmem:$0xA0] =	vst v3  }
0xb6: {  	[spmem:s14] =	stream.linear.scatter @!p1 [tilespmem:s0], [sflag:$0x1], $0x1, $0x38;
	[tilespmem:$0xF30] =	vst v63  }
0xb7: {  	s0 =	simm.s32 @!p1 $0x1  }
0xb8: {  	v3 =	vmctz.xlane @!p1 vm4;
	_ =	swait.ge @!p1 [sflag:s0], $0x1  }
0xb9: {  	(v2sf) =	vpush @!p1 v4, $0x0  }
0xba: {  	(v2sf) =	vpush @!p1 v3, $0x0;
	_ =	sdelay $0xd  }
0xbb: {  	s2 =	spop @!p1 (v2sf)  }
0xbc: {  	s6 =	spop @!p1 (v2sf)  }
0xbd: {  	p2 =	sne.s32 @!p1 s26, s2;
	p3 =	slt.s32 @!p1 s6, $0xF  }
0xbe: {  	[sflag:s0] =	ssyncset.done @!p1 $0x0;
	p2 =	por p2, p1;
	p3 =	por !p3, p1  }
0xbf: {  	[sflag:s0] =	ssyncadd.s32 @!p1 $0xFFFFFFFF;
	v3 =	vimm.s32 @!p2 $0xFFFFFFFF;
	s6 =	simm.s32 @p3 $0xF  }
0xc0: {  	[tilespmem:$0x80] =	vst @!p2 v3;
	s2 =	sadd.s32 @!p1 $0x90, s6  }
0xc1: {  	[spmem:s10] =	stream.linear.scatter @!p1 [tilespmem:s2], [sflag:$0x1], $0x1, $0x38;
	[tilespmem:$0xF30] =	vst v63  }
0xc2: {  	_ =	swait.ge @!p1 [sflag:s0], $0x1  }
0xc3: {  	[sflag:s0] =	ssyncset.done @!p1 $0x0  }
0xc4: {  	s2 =	simm.s32 @!p1 $0x80;
	[sflag:s0] =	ssyncadd.s32 @!p1 $0xFFFFFFFF  }
0xc5: {  	[spmem:s15] =	stream.linear.scatter @!p1 [tilespmem:s2], [sflag:$0x1], $0x1, $0x38;
	[tilespmem:$0xF30] =	vst v63  }
0xc6: {  	_ =	swait.ge @!p1 [sflag:s0], $0x1  }
0xc7: {  	[sflag:s0] =	ssyncset.done @!p1 $0x0  }
0xc8: {  	[sflag:s0] =	ssyncadd.s32 @!p1 $0xFFFFFFFF;
	(ifvalue) =	ssetifvalue $0xFFFFFFFF;
	v3 =	vld [tilespmem:s25+$0x10];
	_ =	sdelay $0x3  }
.Ltmp6:
0xc9: {  	_ = 	snop;
	(pc) =	sbr.rel .LBB2_9-.Ltmp6, $3  }
0xca: {  	_ =	sdelay $0x1  }
0xcb: {  	(ifvalue) =	ssetifvalue $0xFFFFFFFF  }
0xcc: {  	[hbm4b:s1+s16] =	stream.indirect_vreg.scatter [tilespmem:s29], [sflag:$0x9], $0x1, v3, vm0, $0x4038;
	[tilespmem:$0xF30] =	vst v63  }
.LBB2_10:
0xcd: {  	_ =	sfence.sel $0x180000  }
0xce: {  	s0 =	simm.s32 $0x7;
	[bflag:$0x0] =	sbarrier.arrive $0xFFFF  }
0xcf: {  	s26 =	simm.s32 $0x8;
	[sflag:s0] =	ssyncpa.u1 $0x1  }
0xd0: {  	s28 =	simm.s32 $0x9;
	[sflag:s26] =	ssyncpa.u1 $0x1  }
0xd1: {  	[sflag:s28] =	ssyncpa.u1 $0x1  }
0xd2: {  	_ =	sfence.stream.spmem  }
0xd3: {  	s29 =	simm.s32 $0x3;
	[bflag:$0x0] =	sbarrier.arrive $0xFFFF  }
0xd4: {  	s30 =	simm.s32 $0x4;
	[sflag:s29] =	ssyncpa.u1 $0x1  }
0xd5: {  	s31 =	simm.s32 $0x3C;
	s2 =	stileid.u32;
	[sflag:s30] =	ssyncpa.u1 $0x1  }
0xd6: {  	p0 =	sne.s32 s2, $0x0;
	[sflag:s31] =	ssyncpa.u1 $0x1  }
0xd7: {  	s0 =	simm.s32 @p0 $0x1;
	_ =	sfence @p0  }
0xd8: {  	[sflag:s0] =	ssyncpa.u1 @p0 $0x1;
	s0 =	simm.s32 @p0 $0x2  }
0xd9: {  	[sflag:s0] =	ssyncpa.u1 @p0 $0x1  }
0xda: {  	_ =	strace @p0 $0x9000004A  }
0xdb: {  	[bflag:$0x2] =	sbarrier.arrive @p0 $0xFFFF  }
0xdc: {  	_ =	shalt @p0  }
.LBB2_11:
0xdd: {  	_ =	sfence.stream.spmem;
	s0 =	simm.s32 $0x5  }
0xde: {  	s2 =	simm.s32 $0x80;
	s3 =	simm.s32 $0xC0;
	[sflag:s0] =	ssyncpa.u1 $0x0  }
0xdf: {  	[tilespmem:s3], [sflag:$0x5] =	stream.linear.gather [spmem:s2], $0x20, $0x38;
	[tilespmem:$0xF30] =	vst v63  }
0xe0: {  	s2 =	simm.s32 $0x0;
	s3 =	simm.s32 $0xE0  }
0xe1: {  	[tilespmem:s3], [sflag:$0x5] =	stream.linear.gather [spmem:s2], $0x20, $0x38;
	[tilespmem:$0xF30] =	vst v63  }
.Ltmp7:
0xe2: {  	_ = 	snop;
	(pc) =	sbr.rel .LBB2_12-.Ltmp7, $4  }
0xe3: {  	_ =	swait.ge [sflag:s0], $0x40  }
0xe4: {  	[sflag:s0] =	ssyncset.done $0x0  }
0xe5: {  	s31 =	simm.s32 $0x6;
	[sflag:s0] =	ssyncadd.s32 $0xFFFFFFC0  }
0xe6: {  	s4 =	simm.s32 $0x0;
	[sflag:s31] =	ssyncpa.u1 $0x0  }
.LBB2_17:
0xe7: {  	p0 =	sgt.u32 s5, $0x7F  }
0xe8: {  	s0 =	sshrl.u32 @!p0 s5, $0x3  }
0xe9: {  	s5 =	sand.u32 @!p0 $0x7, s5;
	s6 =	simm.s32 @!p0 $0xB0;
	s0 =	sadd.s32 @!p0 s1, s0  }
0xea: {  	[tilespmem:s6], [sflag:$0x6] =	stream.linear.gather @!p0 [hbm4b:s0+s5], $0x1, $0x38;
	[tilespmem:$0xF30] =	vst v63  }
0xeb: {  	s0 =	simm.s32 @!p0 $0x6  }
0xec: {  	_ =	swait.ge @!p0 [sflag:s0], $0x1  }
0xed: {  	[sflag:s0] =	ssyncset.done @!p0 $0x0  }
0xee: {  	[sflag:s0] =	ssyncadd.s32 @!p0 $0xFFFFFFFF  }
0xef: {  	v2 =	vmov @!p0 s4;
	v1 =	vld.msk @!p0 [tilespmem:$0xB0], $0x1;
	_ =	sdelay $0x3  }
0xf0: {  	s0 =	simm.s32 @!p0 $0xE0  }
0xf1: {  	[tilespmem:v2+s0+$0x0], v1 =	vst.idx.ret.add.f32.msk @!p0 $0x1, v1  }
0xf2: {  	[tilespmem:s2+$0xC0] =	vst.msk $0x1, v0  }
0xf3: {  	v0 =	vld.msk [tilespmem:s4+$0xE0], $0x1;
	_ =	sdelay $0x4  }
0xf4: {  	[tilespmem:s2+$0xE0] =	vst.msk $0x1, v0;
	s2 =	sadd.s32 $0x1, s2  }
.LBB2_19:
0xf5: {  	s4 =	sadd.s32 $0x1, s4  }
0xf6: {  	p0 =	sne.s32 s4, $0x20  }
.Ltmp8:
0xf7: {  	_ = 	snop;
	(pc) =	sbr.rel @!p0 .LBB2_20-.Ltmp8, $1  }
0xf8: {  	_ =	sdelay $0x3  }
.LBB2_12:
0xf9: {  	v0 =	vld.msk [tilespmem:s4+$0xC0], $0x1;
	_ =	sdelay $0x4  }
0xfa: {  	(v2sf) =	vpush v0, $0x0;
	_ =	sdelay $0xe  }
0xfb: {  	s5 =	spop (v2sf)  }
0xfc: {  	p0 =	seq.s32 s5, $0xFFFFFFFF  }
.Ltmp9:
0xfd: {  	_ = 	snop;
	(pc) =	sbr.rel @p0 .LBB2_19-.Ltmp9, $1  }
0xfe: {  	_ =	sdelay $0x3  }
0xff: {  	p0 =	slt.s32 s2, $0x1  }
.Ltmp10:
0x100: {  	_ = 	snop;
	(pc) =	sbr.rel @p0 .LBB2_17-.Ltmp10, $1  }
0x101: {  	_ =	sdelay $0x3  }
0x102: {  	s0 =	simm.s32 $0xC0;
	p0 =	por $0x0, $0x0  }
0x103: {  	v1 =	vld.msk @!p0 [tilespmem:s0+$0x0], $0x1;
	_ =	sdelay $0x4  }
0x104: {  	(v2sf) =	vpush @!p0 v1, $0x0;
	_ =	sdelay $0xd  }
0x105: {  	p2 =	sne.s32 s2, $0x1  }
.Ltmp11:
0x106: {  	s6 =	spop @!p0 (v2sf);
	(pc) =	sbr.rel @!p2 .LBB2_16-.Ltmp11, $4  }
0x107: {  	p1 =	seq.s32 @!p0 s5, s6  }
0x108: {  	s6 =	simm.s32 $0x0;
	p1 =	por !p1, p0  }
0x109: {  	s8 =	simm.s32 $0xFFFFFFFF;
	s6 =	simm.s32 @p1 $0xFFFFFFFF  }
0x10a: {  	s7 =	simm.s32 $0x1;
	s6 =	smov.u32 @p0 s8  }
.LBB2_15:
0x10b: {  	s8 =	smov.u32 s6;
	p0 =	sne.s32 s6, $0xFFFFFFFF  }
0x10c: {  	s0 =	sadd.s32 $0x1, s0;
	s6 =	smov.u32 s7;
	s7 =	sadd.s32 $0x1, s7  }
0x10d: {  	p1 =	sne.s32 s2, s7;
	v1 =	vld.msk @!p0 [tilespmem:s0+$0x0], $0x1;
	_ =	sdelay $0x4  }
0x10e: {  	(v2sf) =	vpush @!p0 v1, $0x0;
	_ =	sdelay $0xe  }
.Ltmp12:
0x10f: {  	s9 =	spop @!p0 (v2sf);
	(pc) =	sbr.rel @p1 .LBB2_15-.Ltmp12, $4  }
0x110: {  	p2 =	seq.s32 @!p0 s5, s9  }
0x111: {  	p2 =	por !p2, p0  }
0x112: {  	s6 =	simm.s32 @p2 $0xFFFFFFFF  }
0x113: {  	s6 =	smov.u32 @p0 s8  }
.LBB2_16:
0x114: {  	p0 =	sne.s32 s6, $0xFFFFFFFF  }
.Ltmp13:
0x115: {  	_ = 	snop;
	(pc) =	sbr.rel @!p0 .LBB2_17-.Ltmp13, $1  }
0x116: {  	_ =	sdelay $0x3  }
0x117: {  	v0 =	vld.msk [tilespmem:s4+$0xE0], $0x1;
	v1 =	vmov s6  }
.Ltmp14:
0x118: {  	_ = 	snop;
	(pc) =	sbr.rel .LBB2_19-.Ltmp14, $2  }
0x119: {  	_ =	sdelay $0x2  }
0x11a: {  	[tilespmem:v1+s3+$0x0], v0 =	vst.idx.ret.add.f32.msk $0x1, v0  }
.LBB2_20:
0x11b: {  	p0 =	slt.s32 s2, $0x1  }
.Ltmp15:
0x11c: {  	_ = 	snop;
	(pc) =	sbr.rel @p0 .LBB2_24-.Ltmp15, $3  }
0x11d: {  	_ =	sdelay $0x1  }
0x11e: {  	s0 =	simm.s32 $0x6  }
0x11f: {  	s3 =	simm.s32 $0x0;
	[sflag:s0] =	ssyncpa.u1 $0x1  }
0x120: {  	s0 =	simm.s32 $0xC0  }
0x121: {  	v0 =	vld.msk [tilespmem:s0+$0x0], $0x1;
	_ =	sdelay $0x4  }
0x122: {  	(v2sf) =	vpush v0, $0x0;
	_ =	sdelay $0xe  }
0x123: {  	s2 =	sadd.s32 $0xFFFFFFFF, s2;
	s4 =	spop (v2sf)  }
0x124: {  	p1 =	sne.s32 s2, $0x0;
	p0 =	sgt.u32 s4, $0x7F  }
.Ltmp16:
0x125: {  	s5 =	sshrl.u32 @!p0 s4, $0x3;
	(pc) =	sbr.rel @!p1 .LBB2_23-.Ltmp16, $4  }
0x126: {  	s0 =	simm.s32 $0xE0;
	s4 =	sand.u32 @!p0 $0x7, s4;
	s5 =	sadd.s32 @!p0 s1, s5  }
0x127: {  	[hbm4b:s5+s4] =	stream.linear.scatter @!p0 [tilespmem:s0], [sflag:$0x5], $0x1, $0x38;
	[tilespmem:$0xF30] =	vst v63  }
0x128: {  	s5 =	simm.s32 $0x0  }
0x129: {  	s4 =	simm.s32 $0xC1;
	s5 =	simm.s32 @!p0 $0x4  }
.LBB2_22:
0x12a: {  	v0 =	vld.msk [tilespmem:s4+$0x0], $0x1;
	s2 =	sadd.s32 $0xFFFFFFFF, s2;
	s3 =	sadd.s32 s3, s5  }
0x12b: {  	p0 =	sne.s32 s2, $0x0;
	_ =	sdelay $0x3  }
0x12c: {  	(v2sf) =	vpush v0, $0x0;
	_ =	sdelay $0xe  }
.Ltmp17:
0x12d: {  	s6 =	spop (v2sf);
	(pc) =	sbr.rel @p0 .LBB2_22-.Ltmp17, $4  }
0x12e: {  	s5 =	simm.s32 $0x0;
	p1 =	sgt.u32 s6, $0x7F  }
0x12f: {  	s0 =	sadd.s32 $0x1, s0;
	s5 =	simm.s32 @!p1 $0x4;
	s7 =	sshrl.u32 @!p1 s6, $0x3  }
0x130: {  	s4 =	sadd.s32 $0x1, s4;
	s6 =	sand.u32 @!p1 $0x7, s6;
	s7 =	sadd.s32 @!p1 s1, s7  }
0x131: {  	[hbm4b:s7+s6] =	stream.linear.scatter @!p1 [tilespmem:s0], [sflag:$0x5], $0x1, $0x38;
	[tilespmem:$0xF30] =	vst v63  }
.LBB2_23:
0x132: {  	s0 =	sadd.s32 s3, s5  }
0x133: {  	s3 =	sshrl.u32 s0, $0x2  }
.LBB2_24:
0x134: {  	s0 =	simm.s32 $0x5  }
0x135: {  	_ =	swait.ge [sflag:s0], s3  }
0x136: {  	s1 =	ssub.s32 $0x0, s3;
	[sflag:s0] =	ssyncset.done $0x0  }
0x137: {  	[sflag:s0] =	ssyncadd.s32 s1  }
0x138: {  	[sflag:s0] =	ssyncpa.u1 $0x1  }
0x139: {  	s29 =	simm.s32 $0x1;
	_ =	sfence  }
0x13a: {  	s30 =	simm.s32 $0x2;
	[sflag:s29] =	ssyncpa.u1 $0x1  }
0x13b: {  	[sflag:s30] =	ssyncpa.u1 $0x1  }
0x13c: {  	_ =	strace $0x9000004A  }
0x13d: {  	[bflag:$0x2] =	sbarrier.arrive $0xFFFF  }
0x13e: {  	s31 =	rddreg [dreg:$0x2]  }
0x13f: {  	s0 =	sadd.s32 $0x100000, s31  }
0x140: {  	[sflag:s0] =	ssyncadd.tile.s32 $0x1;
	_ =	shalt  }
.Lfunc_end2:
_tile_overlayer_lowered:
.L_overlay_start_2:
0x141: {  	(tag) =	ssettag $0x2  }
0x142: {  	s0 =	rddreg [dreg:$0x0];
	s2 =	stileid.u32  }
0x143: {  	s1 =	rddreg [dreg:$0x1];
	p0 =	sne.s32 s2, $0x0  }
0x144: {  	s3 =	rddreg [dreg:$0x2];
	[bflag:$0x3] =	sbarrier.arrive $0xFFFF;
	s2 =	simm.s32 @!p0 $0x1C01  }
0x145: {  	[timem:s3], [sflag:s2] =	dma.local @!p0 [hbm:s0], s1  }
0x146: {  	s0 =	simm.s32 @!p0 $0x1  }
0x147: {  	_ =	swait.ge @!p0 [sflag:s0], s1  }
0x148: {  	s1 =	ssub.s32 @!p0 $0x0, s1;
	[sflag:s0] =	ssyncset.done @!p0 $0x0  }
0x149: {  	[sflag:s0] =	ssyncadd.s32 @!p0 s1  }
0x14a: {  	[bflag:$0x3] =	sbarrier.arrive $0xFFFF  }
0x14b: {  	_ =	shalt  }

// kernel: scatter_offload_async_start
scs
__scs_entry_jumppad:
0x0: {  	(pc) =	sbr.rel $0x88, $3  }
0x1: {  	(tag) =	ssettag $0x0;
	lr =	simm.s32 $0x1  }
0x2: {  	[smem:$0x3F8A] =	sst lr;
	_ =	strace $0xD0000000  }
0x3: {  	_ = 	snop  }
0x4: {  	_ = 	snop  }
0x5: {  	_ = 	snop  }
0x6: {  	_ = 	snop  }
0x7: {  	_ = 	snop  }
__scs_overlays_trampoline_lowered:
0x8: {  	[smem:$0x3F99] =	sst s0  }
0x9: {  	[smem:$0x3F9A] =	sst s1  }
0xa: {  	[smem:$0x3F9B] =	sst s2  }
0xb: {  	[smem:$0x3F9C] =	sst s3  }
0xc: {  	[smem:$0x3F9D] =	sst s4  }
0xd: {  	[smem:$0x3F9E] =	sst s5  }
0xe: {  	[smem:$0x3F9F] =	sst s6  }
0xf: {  	[smem:$0x3FA0] =	sst s7  }
0x10: {  	[smem:$0x3FA1] =	sst s8  }
0x11: {  	[smem:$0x3FA2] =	sst s9;
	s0 =	simm.s32 @!p0 $0x0  }
0x12: {  	s1 =	sld [smem:$0x3F88];
	s0 =	simm.s32 @p0 $0x1  }
0x13: {  	[smem:$0x3FA3] =	sst s0;
	s0 =	simm.s32 @!p1 $0x0  }
0x14: {  	s2 =	sld [smem:$0x3F87];
	s0 =	simm.s32 @p1 $0x1  }
0x15: {  	[smem:$0x3FA4] =	sst s0;
	s0 =	simm.s32 @!p2 $0x0  }
0x16: {  	s3 =	sld [smem:$0x3FDB];
	s0 =	simm.s32 @p2 $0x1  }
0x17: {  	s4 =	simm.s32 $0x1BF5;
	[smem:$0x3FA6] =	sst s0  }
0x18: {  	s0 =	sld [smem:$0x3F89];
	_ =	swait.ge [sflag:s4], $0x0  }
0x19: {  	s7 =	sld [smem:$0x3F8A]  }
0x1a: {  	s8 =	sadd.s32 $0xFFFFE003, lr  }
0x1b: {  	s9 =	sadd.s32 $0xFFFFFEF7, lr;
	s5 =	simm.s32 $0xFFFFFFFF;
	p2 =	slt.u32 s8, $0xFFFFF086  }
0x1c: {  	p1 =	slt.u32 s9, $0xF7A;
	s5 =	simm.s32 @!p2 $0x0  }
0x1d: {  	s5 =	simm.s32 @p1 $0x1;
	p0 =	seq.s32 s7, s2  }
0x1e: {  	s7 =	smul.u32 @!p0 $0xF7A, s2;
	p2 =	seq.s32 @!p0 s5, $0x0  }
0x1f: {  	s9 =	smul.u32 $0xF7A, s1;
	s8 =	simm.s32 @!p0 $0x1BF5;
	p2 =	por !p2, p0  }
0x20: {  	[sflag:s8] =	ssyncset.s32 @!p0 $0xFFFFF086;
	s6 =	sadd.s32 @!p0 s3, s7;
	s7 =	simm.s32 @!p0 $0x108  }
0x21: {  	s3 =	sadd.s32 s3, s9;
	s6 =	sadd.s32 @!p0 $0x88, s6;
	s7 =	simm.s32 @p2 $0x1082  }
0x22: {  	[simem:s7], [sflag:s8] =	dma.local @!p0 [hbm:s6], $0xF7A  }
0x23: {  	s9 =	sor.u32 $0xD0000000, s2;
	s6 =	simm.s32 $0x108;
	_ =	swait.ge @!p0 [sflag:s8], $0x0  }
0x24: {  	s3 =	sadd.s32 $0x88, s3;
	s6 =	simm.s32 @!p1 $0x1082;
	[sflag:s4] =	ssyncset.s32 $0xFFFFF086  }
0x25: {  	[simem:s6], [sflag:s4] =	dma.local [hbm:s3], $0xF7A  }
0x26: {  	[smem:$0x3F8A] =	sst s1;
	(tag) =	ssettag s2;
	_ =	strace s9  }
0x27: {  	s1 =	sld [smem:$0x3F9A]  }
0x28: {  	s2 =	sld [smem:$0x3F9B]  }
0x29: {  	s4 =	sld [smem:$0x3F9D]  }
0x2a: {  	p0 =	seq.s32 s5, $0x0;
	s5 =	sld [smem:$0x3F9E]  }
0x2b: {  	s6 =	sld [smem:$0x3F9F]  }
0x2c: {  	s7 =	sld [smem:$0x3FA0]  }
0x2d: {  	s3 =	simm.s32 $0x108;
	s8 =	sld [smem:$0x3FA1]  }
0x2e: {  	s3 =	simm.s32 @!p0 $0x1082;
	s9 =	sld [smem:$0x3FA2]  }
0x2f: {  	lr =	sadd.s32 s0, s3;
	s0 =	sld [smem:$0x3F99]  }
0x30: {  	s3 =	sld [smem:$0x3F9C]  }
0x31: {  	[smem:$0x3FA5] =	sst s10  }
0x32: {  	s10 =	sld [smem:$0x3FA3];
	_ =	sdelay $0x3  }
0x33: {  	p0 =	seq.s32 s10, $0x1;
	s10 =	sld [smem:$0x3FA5];
	_ =	sdelay $0x3  }
0x34: {  	[smem:$0x3FA5] =	sst s10  }
0x35: {  	s10 =	sld [smem:$0x3FA4];
	_ =	sdelay $0x3  }
0x36: {  	p1 =	seq.s32 s10, $0x1;
	s10 =	sld [smem:$0x3FA5];
	_ =	sdelay $0x3  }
0x37: {  	[smem:$0x3FA5] =	sst s10  }
0x38: {  	s10 =	sld [smem:$0x3FA6]  }
0x39: {  	_ = 	snop;
	(pc) =	sbr.ind lr, $3  }
0x3a: {  	_ = 	snop  }
0x3b: {  	_ = 	snop  }
0x3c: {  	p2 =	seq.s32 s10, $0x1;
	s10 =	sld [smem:$0x3FA5]  }
0x3d: {  	_ =	shalt  }
0x3e: {  	_ =	shalt  }
0x3f: {  	_ =	shalt  }
0x40: {  	_ =	shalt  }
0x41: {  	_ =	shalt  }
0x42: {  	_ =	shalt  }
0x43: {  	_ =	shalt  }
0x44: {  	_ =	shalt  }
0x45: {  	_ =	shalt  }
0x46: {  	_ =	shalt  }
0x47: {  	_ =	shalt  }
0x48: {  	_ =	shalt  }
0x49: {  	_ =	shalt  }
0x4a: {  	_ =	shalt  }
0x4b: {  	_ =	shalt  }
0x4c: {  	_ =	shalt  }
0x4d: {  	_ =	shalt  }
0x4e: {  	_ =	shalt  }
0x4f: {  	_ =	shalt  }
0x50: {  	_ =	shalt  }
0x51: {  	_ =	shalt  }
0x52: {  	_ =	shalt  }
0x53: {  	_ =	shalt  }
0x54: {  	_ =	shalt  }
0x55: {  	_ =	shalt  }
0x56: {  	_ =	shalt  }
0x57: {  	_ =	shalt  }
0x58: {  	_ =	shalt  }
0x59: {  	_ =	shalt  }
0x5a: {  	_ =	shalt  }
0x5b: {  	_ =	shalt  }
0x5c: {  	_ =	shalt  }
0x5d: {  	_ =	shalt  }
0x5e: {  	_ =	shalt  }
0x5f: {  	_ =	shalt  }
0x60: {  	_ =	shalt  }
0x61: {  	_ =	shalt  }
0x62: {  	_ =	shalt  }
0x63: {  	_ =	shalt  }
0x64: {  	_ =	shalt  }
0x65: {  	_ =	shalt  }
0x66: {  	_ =	shalt  }
0x67: {  	_ =	shalt  }
0x68: {  	_ =	shalt  }
0x69: {  	_ =	shalt  }
0x6a: {  	_ =	shalt  }
0x6b: {  	_ =	shalt  }
0x6c: {  	_ =	shalt  }
0x6d: {  	_ =	shalt  }
0x6e: {  	_ =	shalt  }
0x6f: {  	_ =	shalt  }
0x70: {  	_ =	shalt  }
0x71: {  	_ =	shalt  }
0x72: {  	_ =	shalt  }
0x73: {  	_ =	shalt  }
0x74: {  	_ =	shalt  }
0x75: {  	_ =	shalt  }
0x76: {  	_ =	shalt  }
0x77: {  	_ =	shalt  }
0x78: {  	_ =	shalt  }
0x79: {  	_ =	shalt  }
0x7a: {  	_ =	shalt  }
0x7b: {  	_ =	shalt  }
0x7c: {  	_ =	shalt  }
0x7d: {  	_ =	shalt  }
0x7e: {  	_ =	shalt  }
0x7f: {  	_ =	shalt  }
0x80: {  	_ =	shalt  }
0x81: {  	_ =	shalt  }
0x82: {  	_ =	shalt  }
0x83: {  	_ =	shalt  }
0x84: {  	_ =	shalt  }
0x85: {  	_ =	shalt  }
0x86: {  	_ =	shalt  }
0x87: {  	_ =	shalt  }
.Lfunc_end0:
.L_simem_size_0:
called_computation_lowered:
.L_overlay_start_0:
0x88: {  	s0 =	sld [smem:$0x3FD9]  }
0x89: {  	s1 =	sld [smem:$0x3FFE];
	_ =	sdelay $0x3  }
0x8a: {  	s0 =	sadd.s32 s1, s0  }
0x8b: {  	[smem:$0x3FB1] =	sst s0  }
0x8c: {  	_ = 	snop  }
0x8d: {  	(tm) =	ssettm $0x1  }
0x8e: {  	s15 =	sld [smem:$0x3FFB];
	_ =	sdelay $0x3  }
0x8f: {  	_ =	strace s15  }
0x90: {  	s0 =	sld [smem:$0x3FFC];
	_ =	sdelay $0x3  }
0x91: {  	_ =	strace s0  }
0x92: {  	s0 =	sld [smem:$0x3FFD];
	_ =	sdelay $0x3  }
0x93: {  	_ =	strace s0  }
0x94: {  	_ =	strace $0x8FFFFFFF  }
0x95: {  	s16 =	sld [smem:$0x3FDB];
	_ =	sdelay $0x1  }
0x96: {  	s17 =	simm.s32 $_scs_section_size  }
0x97: {  	s2 =	simm.s32 $_size__tile_overlayer_lowered;
	s3 =	simm.s32 $_tile_overlayer_lowered  }
0x98: {  	s20 =	simm.s32 $0x1BFF;
	s19 =	sshll.u32 s3, $0x1;
	s0 =	sadd.s32 s17, s16  }
0x99: {  	s4 =	simm.s32 $0x0;
	s18 =	sshll.u32 s2, $0x1;
	s2 =	sadd.s32 s19, s0  }
0x9a: {  	[timem:s4], [sflag:s20] =	dma.local [hbm:s2], s18  }
0x9b: {  	_ =	swait.ge [sflag:s20], s18  }
0x9c: {  	s1 =	ssub.s32 $0x0, s18;
	[sflag:s20] =	ssyncset.done $0x0  }
0x9d: {  	[sflag:s20] =	ssyncadd.s32 s1;
	_ =	sdelay $0x1  }
0x9e: {  	s21 =	simm.s32 $0x1B8B  }
0x9f: {  	_ =	swait.ge [sflag:s21], $0x1  }
0xa0: {  	[sflag:s21] =	ssyncset.done $0x0  }
0xa1: {  	s23 =	simm.s32 $0x1B8E;
	s22 =	sld [smem:$0x3FFE];
	[sflag:s21] =	ssyncadd.s32 $0xFFFFFFFF  }
0xa2: {  	s24 =	simm.s32 $execute0_lowered;
	[smem:$0x3FD2] =	sst s23  }
0xa3: {  	s2 =	sshll.u32 s24, $0x1;
	_ =	strace $0x80000046;
	[dreg:$0x1] =	wrdreg $0xFFFFFFFF  }
0xa4: {  	s25 =	simm.s32 $_size_execute0_lowered;
	s0 =	sadd.s32 s0, s2;
	[dreg:$0x0] =	wrdreg $0x0  }
0xa5: {  	s2 =	sshll.u32 s25, $0x1;
	[dreg:$0x2] =	wrdreg s0  }
0xa6: {  	[dreg:$0x3] =	wrdreg s2  }
0xa7: {  	[dreg:$0x4] =	wrdreg $0xC0  }
0xa8: {  	_ =	task [dreg:s4], $0x5FFFF  }
0xa9: {  	[dreg:$0x1] =	wrdreg $0xFFFFFFFF  }
0xaa: {  	[dreg:$0x0] =	wrdreg $0x60  }
0xab: {  	[dreg:$0x2] =	wrdreg s22  }
0xac: {  	[dreg:$0x3] =	wrdreg $0x9  }
0xad: {  	_ =	task.clear_ibuf [dreg:s4], $0x4FFFF;
	_ =	strace $0x90000046  }
0xae: {  	s26 =	simm.s32 $0x9;
	_ =	strace $0x80000048  }
0xaf: {  	_ =	swait.ge [sflag:s26], $0x1  }
0xb0: {  	[sflag:s26] =	ssyncadd.s32 $0xFFFFFFFF  }
0xb1: {  	_ =	strace $0x90000048  }
0xb2: {  	_ =	sfence  }
0xb3: {  	s28 =	sld [smem:$0x0];
	_ =	sdelay $0x1  }
0xb4: {  	s29 =	srdreg.scid  }
0xb5: {  	s30 =	sshll.u32 s29, $0xD;
	s31 =	sshrl.u32 s29, $0x2  }
0xb6: {  	s1 =	sand.u32 $0x1, s29;
	s2 =	sand.u32 $0x4000, s30;
	s0 =	sadd.s32 s31, s28  }
0xb7: {  	s1 =	sor.u32 s2, s1;
	s0 =	sshll.u32 s0, $0x11  }
0xb8: {  	s0 =	sor.u32 s0, s1  }
0xb9: {  	s0 =	sadd.s32 $0x8F2B, s0  }
0xba: {  	[sflag:s0] =	ssyncadd.remote.s32 $0x1  }
0xbb: {  	_ =	sfence.sel $0xFFFF  }
0xbc: {  	[dreg:$0x0] =	wrdreg $0xFFFFFFFF;
	(pc) =	sbr.abs _section_cstart, $3  }
0xbd: {  	[dreg:$0x1] =	wrdreg $0xFFFFFFFF  }
0xbe: {  	_ =	task.clear_ibuf [dreg:s4], $0x2FFFF;
	_ =	strace $0x9FFFFFFF  }
0xbf: {  	(tm) =	ssettm $0x7FFFFFFF  }
tec
execute0_lowered:
.L_overlay_start_1:
0x0: {  	(tag) =	ssettag $0x1  }
0x1: {  	s4 =	rddreg [dreg:$0x0]  }
0x2: {  	s0 =	rddreg [dreg:$0x1];
	_ =	strace $0x80000047;
	s3 =	stileid.u32  }
0x3: {  	s6 =	simm.s32 $0x3E;
	s1 =	sadd.s32 $0x6E00, s4;
	p0 =	sne.s32 s3, $0x0  }
0x4: {  	[sflag:s6] =	ssyncpa.u1 $0x0;
	s31 =	smin.u32 s3, $0x8;
	p1 =	slt.u32 s3, $0x8  }
0x5: {  	s3 =	simm.s32 $0x10;
	s5 =	simm.s32 @!p0 $0x1C3E;
	s2 =	simm.s32 @!p0 $0x0  }
0x6: {  	[spmem:s2], [sflag:s5] =	dma.local @!p0 [hbm:s1], $0x10  }
0x7: {  	s3 =	simm.s32 @!p1 $0x0;
	s5 =	sshll.u32 s31, $0x4  }
0x8: {  	s3 =	sadd.s32 s3, s5  }
0x9: {  	s9 =	smin.u32 s3, $0x80  }
0xa: {  	s8 =	ssub.s32 s9, s5  }
0xb: {  	p1 =	sgt.s32 s8, $0x0  }
0xc: {  	s7 =	simm.s32 @!p0 $0x3E;
	s8 =	simm.s32 @!p1 $0x0  }
0xd: {  	_ =	swait.ge @!p0 [sflag:s7], $0x10;
	s10 =	sshrl.u32 s8, $0x4  }
0xe: {  	[sflag:s7] =	ssyncset.done @!p0 $0x0;
	s11 =	sadd.s32 $0x1, s10  }
0xf: {  	p3 =	por $0x0, $0x0;
	[sflag:s7] =	ssyncadd.s32 @!p0 $0xFFFFFFF0;
	p1 =	sne.s32 s11, $0x1  }
.Ltmp0:
0x10: {  	s3 =	simm.s32 $0x1;
	[bflag:$0x0] =	sbarrier.arrive $0xFFFF;
	(pc) =	sbr.rel @!p1 .LBB2_1-.Ltmp0, $4  }
0x11: {  	s7 =	sadd.s32 $0x12600, s4;
	[sflag:s6] =	ssyncpa.u1 $0x1;
	s6 =	sadd.s32 $0x12200, s4  }
0x12: {  	s4 =	simm.s32 $0x2;
	s8 =	simm.s32 $0x0;
	p2 =	sle.u32 s10, $0x0  }
0x13: {  	[sflag:s3] =	ssyncpa.u1 $0x0;
	(ifvalue) =	ssetifvalue $0x80;
	s12 =	sxor.u32 @!p2 $0xFFFFFFFF, s8  }
0x14: {  	[sflag:s4] =	ssyncpa.u1 $0x0;
	s15 =	sshrl.u32 @!p2 s5, $0x3;
	s16 =	sand.u32 @!p2 $0x10, s12  }
0x15: {  	s12 =	sadd.s32 @!p2 s7, s15  }
0x16: {  	s13 =	sor.u32 @!p2 $0x8, s16;
	s14 =	sand.u32 @!p2 $0x7, s5;
	p1 =	por $0x1, $0x1  }
0x17: {  	[tilespmem:s13], [sflag:$0x2] =	stream.linear.gather @!p2 [hbm4b:s12+s14], $0x10, $0x38;
	[tilespmem:$0x48] =	vst v63  }
0x18: {  	s15 =	sadd.s32 @!p2 s6, s15;
	s12 =	sor.u32 @!p2 $0x28, s16;
	s13 =	simm.s32 @!p1 $0x2  }
0x19: {  	[tilespmem:s12], [sflag:$0x2] =	stream.linear.gather @!p2 [hbm4b:s15+s14], $0x10, $0x38;
	[tilespmem:$0x48] =	vst v63  }
0x1a: {  	_ =	swait.ge @!p1 [sflag:s13], $0x20  }
0x1b: {  	s8 =	sand.u32 @!p1 $0x10, s8;
	[sflag:s13] =	ssyncset.done @!p1 $0x0  }
0x1c: {  	s12 =	sor.u32 @!p1 $0x8, s8;
	[sflag:s13] =	ssyncadd.s32 @!p1 $0xFFFFFFE0  }
0x1d: {  	v0 =	vld.msk @!p1 [tilespmem:s12+$0x0 ss:$0x1], $0xffff;
	_ =	sdelay $0x3  }
0x1e: {  	p4 =	sne.s32 s11, $0x2  }
.Ltmp1:
0x1f: {  	s18 =	simm.s32 @!p1 $0x0;
	s17 =	simm.s32 @!p1 $0x1;
	v0 =	vmin.u32 @!p1 v0, $0x80;
	(pc) =	sbr.rel @!p4 .LBB2_3-.Ltmp1, $4  }
0x20: {  	s15 =	sadd.s32 $0x10, s5;
	p2 =	sle.u32 s10, $0x1;
	s14 =	smov.u32 s5  }
0x21: {  	p3 =	slt.s32 s15, s9;
	s13 =	sor.u32 @!p1 $0x28, s8;
	s8 =	simm.s32 $0x10  }
0x22: {  	s14 =	smov.u32 @p3 s15;
	p3 =	por $0x1, $0x1;
	s16 =	sxor.u32 @!p2 $0xFFFFFFFF, s8  }
0x23: {  	vm0 =	vmmov @!p1 $0xffff;
	s15 =	sshrl.u32 @!p2 s14, $0x3;
	s12 =	simm.s32 $0x2;
	s16 =	sand.u32 @!p2 $0x10, s16  }
.LBB2_4:
0x24: {  	[spmem:s18] =	stream.indirect_vreg.scatter.add.s32 @!p1 [tilespmem:s13], [sflag:$0x1], $0x1, v0, vm0, $0x4038;
	[tilespmem:$0x48] =	vst v63  }
0x25: {  	s13 =	sadd.s32 @!p2 s7, s15;
	s18 =	sor.u32 @!p2 $0x8, s16;
	_ =	swait.ge @!p1 [sflag:s17], $0x10  }
0x26: {  	s19 =	smov.u32 s12;
	s12 =	sadd.s32 $0x1, s12;
	[sflag:s17] =	ssyncset.done @!p1 $0x0  }
0x27: {  	s20 =	sand.u32 @!p2 $0x7, s14;
	[sflag:s17] =	ssyncadd.s32 @!p1 $0xFFFFFFF0;
	p1 =	seq.s32 s8, $0x0  }
0x28: {  	[tilespmem:s18], [sflag:$0x2] =	stream.linear.gather @!p2 [hbm4b:s13+s20], $0x10, $0x38;
	[tilespmem:$0x48] =	vst v63  }
0x29: {  	s16 =	sor.u32 @!p2 $0x28, s16;
	s17 =	simm.s32 @!p1 $0x2;
	s13 =	sand.u32 @!p1 $0x10, s8  }
0x2a: {  	s15 =	sadd.s32 @!p2 s6, s15;
	s18 =	sor.u32 @!p1 $0x8, s13;
	s13 =	sor.u32 @!p1 $0x28, s13  }
0x2b: {  	[tilespmem:s16], [sflag:$0x2] =	stream.linear.gather @!p2 [hbm4b:s15+s20], $0x10, $0x38;
	[tilespmem:$0x48] =	vst v63  }
0x2c: {  	p4 =	sne.s32 s11, s12;
	_ =	swait.ge @!p1 [sflag:s17], $0x20  }
0x2d: {  	[sflag:s17] =	ssyncset.done @!p1 $0x0  }
0x2e: {  	[sflag:s17] =	ssyncadd.s32 @!p1 $0xFFFFFFE0  }
0x2f: {  	v0 =	vld.msk @!p1 [tilespmem:s18+$0x0 ss:$0x1], $0xffff;
	_ =	sdelay $0x5  }
.Ltmp2:
0x30: {  	s8 =	sadd.s32 $0x10, s8;
	v0 =	vmin.u32 @!p1 v0, $0x80;
	(pc) =	sbr.rel @p4 .LBB2_4-.Ltmp2, $4  }
0x31: {  	vm0 =	vmmov @!p1 $0xffff;
	s15 =	sadd.s32 $0x10, s14;
	p2 =	sge.u32 s19, s10;
	s18 =	simm.s32 @!p1 $0x0  }
0x32: {  	s14 =	smov.u32 s5;
	p5 =	slt.s32 s15, s9;
	s17 =	simm.s32 @!p1 $0x1  }
0x33: {  	s16 =	sxor.u32 @!p2 $0xFFFFFFFF, s8;
	s14 =	smov.u32 @p5 s15  }
0x34: {  	s16 =	sand.u32 @!p2 $0x10, s16;
	s15 =	sshrl.u32 @!p2 s14, $0x3  }
0x35: {  	s5 =	smov.u32 s14  }
.LBB2_6:
0x36: {  	_ =	sdelay $0x2  }
0x37: {  	p3 =	por p1, !p3  }
0x38: {  	[spmem:s18] =	stream.indirect_vreg.scatter.add.s32 @!p3 [tilespmem:s13], [sflag:$0x1], $0x1, v0, vm0, $0x4038;
	[tilespmem:$0x48] =	vst v63  }
0x39: {  	_ =	swait.ge @!p3 [sflag:s17], $0x10  }
0x3a: {  	s7 =	sadd.s32 @!p2 s7, s15;
	s9 =	sor.u32 @!p2 $0x8, s16;
	[sflag:s17] =	ssyncset.done @!p3 $0x0  }
0x3b: {  	s5 =	sand.u32 @!p2 $0x7, s5;
	p1 =	seq.s32 s8, $0x0;
	[sflag:s17] =	ssyncadd.s32 @!p3 $0xFFFFFFF0  }
0x3c: {  	[tilespmem:s9], [sflag:$0x2] =	stream.linear.gather @!p2 [hbm4b:s7+s5], $0x10, $0x38;
	[tilespmem:$0x48] =	vst v63  }
0x3d: {  	s6 =	sadd.s32 @!p2 s6, s15;
	s7 =	sor.u32 @!p2 $0x28, s16;
	s9 =	simm.s32 @!p1 $0x2  }
0x3e: {  	[tilespmem:s7], [sflag:$0x2] =	stream.linear.gather @!p2 [hbm4b:s6+s5], $0x10, $0x38;
	[tilespmem:$0x48] =	vst v63  }
0x3f: {  	_ =	swait.ge @!p1 [sflag:s9], $0x20  }
0x40: {  	s5 =	sand.u32 @!p1 $0x10, s8;
	[sflag:s9] =	ssyncset.done @!p1 $0x0  }
0x41: {  	s6 =	sor.u32 @!p1 $0x8, s5;
	[sflag:s9] =	ssyncadd.s32 @!p1 $0xFFFFFFE0  }
0x42: {  	v0 =	vld.msk @!p1 [tilespmem:s6+$0x0 ss:$0x1], $0xffff;
	_ =	sdelay $0x4  }
0x43: {  	v0 =	vmin.u32 @!p1 v0, $0x80;
	_ =	sdelay $0x3  }
0x44: {  	vm0 =	vmmov @!p1 $0xffff;
	s7 =	simm.s32 @!p1 $0x1;
	s5 =	sor.u32 @!p1 $0x28, s5;
	s6 =	simm.s32 @!p1 $0x0  }
0x45: {  	[spmem:s6] =	stream.indirect_vreg.scatter.add.s32 @!p1 [tilespmem:s5], [sflag:$0x1], $0x1, v0, vm0, $0x4038;
	[tilespmem:$0x48] =	vst v63  }
0x46: {  	_ =	swait.ge @!p1 [sflag:s7], $0x10  }
0x47: {  	[sflag:s7] =	ssyncset.done @!p1 $0x0  }
0x48: {  	[sflag:s7] =	ssyncadd.s32 @!p1 $0xFFFFFFF0  }
0x49: {  	_ =	sfence.sel $0x180000  }
0x4a: {  	[bflag:$0x0] =	sbarrier.arrive $0xFFFF  }
0x4b: {  	[sflag:s4] =	ssyncpa.u1 $0x1  }
0x4c: {  	[sflag:s3] =	ssyncpa.u1 $0x1  }
0x4d: {  	_ =	sfence.stream.spmem  }
0x4e: {  	s31 =	simm.s32 $0x3D;
	[bflag:$0x0] =	sbarrier.arrive $0xFFFF  }
0x4f: {  	s3 =	simm.s32 @p0 $0x3D;
	[sflag:s31] =	ssyncpa.u1 $0x0  }
0x50: {  	[sflag:s3] =	ssyncpa.u1 @p0 $0x1  }
0x51: {  	[bflag:$0x0] =	sbarrier.arrive @p0 $0xFFFF  }
0x52: {  	_ =	strace @p0 $0x90000047  }
0x53: {  	s3 =	simm.s32 @!p0 $0x1C3D;
	[bflag:$0x2] =	sbarrier.arrive @p0 $0xFFFF  }
0x54: {  	[hbm:s1], [sflag:s3] =	dma.local @!p0 [spmem:s2], $0x10  }
0x55: {  	s1 =	simm.s32 @!p0 $0x3D  }
0x56: {  	_ =	swait.ge @!p0 [sflag:s1], $0x10  }
0x57: {  	[sflag:s1] =	ssyncset.done @!p0 $0x0  }
0x58: {  	[sflag:s1] =	ssyncadd.s32 @!p0 $0xFFFFFFF0  }
0x59: {  	[sflag:s1] =	ssyncpa.u1 @!p0 $0x1  }
0x5a: {  	[bflag:$0x0] =	sbarrier.arrive @!p0 $0xFFFF  }
0x5b: {  	_ =	strace @!p0 $0x90000047  }
0x5c: {  	s0 =	sadd.s32 @!p0 $0x100000, s0;
	[bflag:$0x2] =	sbarrier.arrive @!p0 $0xFFFF  }
0x5d: {  	[sflag:s0] =	ssyncadd.tile.s32 @!p0 $0x1;
	_ =	shalt  }
.LBB2_1:
.Ltmp3:
0x5e: {  	(pc) =	sbr.rel .LBB2_6-.Ltmp3, $2  }
0x5f: {  	_ =	sdelay $0x2  }
0x60: {  	_ = 	snop  }
.LBB2_3:
.Ltmp4:
0x61: {  	(pc) =	sbr.rel .LBB2_6-.Ltmp4, $2  }
0x62: {  	_ =	sdelay $0x2  }
0x63: {  	s5 =	smov.u32 s14  }
.Lfunc_end2:
_tile_overlayer_lowered:
.L_overlay_start_2:
0x64: {  	(tag) =	ssettag $0x2  }
0x65: {  	s0 =	rddreg [dreg:$0x0];
	s2 =	stileid.u32  }
0x66: {  	s1 =	rddreg [dreg:$0x1];
	p0 =	sne.s32 s2, $0x0  }
0x67: {  	s3 =	rddreg [dreg:$0x2];
	[bflag:$0x3] =	sbarrier.arrive $0xFFFF;
	s2 =	simm.s32 @!p0 $0x1C01  }
0x68: {  	[timem:s3], [sflag:s2] =	dma.local @!p0 [hbm:s0], s1  }
0x69: {  	s0 =	simm.s32 @!p0 $0x1  }
0x6a: {  	_ =	swait.ge @!p0 [sflag:s0], s1  }
0x6b: {  	s1 =	ssub.s32 @!p0 $0x0, s1;
	[sflag:s0] =	ssyncset.done @!p0 $0x0  }
0x6c: {  	[sflag:s0] =	ssyncadd.s32 @!p0 s1  }
0x6d: {  	[bflag:$0x3] =	sbarrier.arrive $0xFFFF  }
0x6e: {  	_ =	shalt  }

</sc_bundles>
